<compile_context>
chip_gen: v7x
topology: tpu7x:2x2x1
jax: 0.10.2.dev20260603
libtpu: 0.0.44.dev20260713+nightly
codegen_flags: <defaults>
</compile_context>

<pallas_src>
import functools

import jax
import jax.numpy as jnp
from jax import lax
from jax.experimental import pallas as pl
from jax.experimental.pallas import tpu as pltpu
from jax.experimental.pallas import tpu_sc as plsc

NC = 2
NS = 16
NW = NC * NS
CHUNK = 128

N = 10000
E = 160000
DH = 128
NPAD = N + 16
E_PAD = 163840
EC = E_PAD // NS // CHUNK
IB = 16
DC = E_PAD // NW // CHUNK
RW = 632
RW_LAST = N - (NS - 1) * RW
ZROWS = NPAD // NS
BLK = 1000
EPS = 1e-5

_mesh = plsc.VectorSubcoreMesh(core_axis_name="c", subcore_axis_name="s")


def _rowsplit_copy(s, srcf, dstf):
    base = s * RW

    @pl.when(s < NS - 1)
    def _():
        pltpu.sync_copy(srcf(base, RW), dstf(base, RW))

    @pl.when(s == NS - 1)
    def _():
        pltpu.sync_copy(srcf(base, RW_LAST), dstf(base, RW_LAST))


@functools.partial(
    pl.kernel,
    mesh=_mesh,
    out_type=jax.ShapeDtypeStruct((NC, N, 16), jnp.float32),
    scratch_types=[
        pltpu.VMEM_SHARED((NPAD, 16), jnp.float32),
        pltpu.VMEM((ZROWS, 16), jnp.float32),
        pltpu.VMEM((CHUNK, 16), jnp.float32),
        pltpu.VMEM((DC, CHUNK), jnp.int32),
    ],
)
def _deg_kernel(dst_hbm, deg_out, hist, zbuf, ones_v, idx_v):
    c = lax.axis_index("c")
    s = lax.axis_index("s")
    tid = c * NS + s

    def fill(i, _):
        zbuf[i] = jnp.zeros((16,), jnp.float32)
        return 0

    lax.fori_loop(0, ZROWS, fill, 0, unroll=False)

    def fill1(i, _):
        ones_v[i] = jnp.ones((16,), jnp.float32)
        return 0

    lax.fori_loop(0, CHUNK, fill1, 0, unroll=False)

    pltpu.sync_copy(dst_hbm.at[tid], idx_v)
    pltpu.sync_copy(zbuf, hist.at[pl.ds(s * ZROWS, ZROWS)])
    plsc.subcore_barrier()

    def body(j, _):
        pltpu.sync_copy(ones_v, hist.at[idx_v.at[j]], add=True)
        return 0

    lax.fori_loop(0, DC, body, 0, unroll=False)
    plsc.subcore_barrier()

    _rowsplit_copy(s,
                   lambda o, n: hist.at[pl.ds(o, n)],
                   lambda o, n: deg_out.at[c, pl.ds(o, n)])


@functools.partial(
    pl.kernel,
    mesh=_mesh,
    out_type=jax.ShapeDtypeStruct((NC, N, DH), jnp.float32),
    scratch_types=[
        pltpu.VMEM_SHARED((NPAD, DH), jnp.float32),
        pltpu.VMEM((IB, CHUNK), jnp.int32),
        pltpu.VMEM((IB, CHUNK), jnp.int32),
        pltpu.VMEM((2, CHUNK, DH), jnp.float32),
        pltpu.SemaphoreType.DMA,
        pltpu.SemaphoreType.DMA,
    ],
)
def _scatter_kernel(y_hbm, src_hbm, dst_hbm, part_out,
                    acc, sidx, didx, rows, gsem0, gsem1):
    c = lax.axis_index("c")
    s = lax.axis_index("s")

    base_row = c * N
    _rowsplit_copy(s,
                   lambda o, n: y_hbm.at[pl.ds(base_row + o, n)],
                   lambda o, n: acc.at[pl.ds(o, n)])
    plsc.subcore_barrier()

    def gather(j, b, sem):
        return pltpu.make_async_copy(y_hbm.at[sidx.at[j]], rows.at[b], sem)

    def outer(bi, _):
        pltpu.sync_copy(src_hbm.at[c, s, pl.ds(bi * IB, IB)], sidx)
        pltpu.sync_copy(dst_hbm.at[s, pl.ds(bi * IB, IB)], didx)
        gather(0, 0, gsem0).start()
        gather(1, 1, gsem1).start()

        def inner(t, _):
            j0 = 2 * t
            j1 = j0 + 1
            gather(j0, 0, gsem0).wait()
            pltpu.sync_copy(rows.at[0], acc.at[didx.at[j0]], add=True)

            @pl.when(j0 + 2 < IB)
            def _():
                gather(j0 + 2, 0, gsem0).start()

            gather(j1, 1, gsem1).wait()
            pltpu.sync_copy(rows.at[1], acc.at[didx.at[j1]], add=True)

            @pl.when(j1 + 2 < IB)
            def _():
                gather(j1 + 2, 1, gsem1).start()

            return 0

        lax.fori_loop(0, IB // 2, inner, 0, unroll=False)
        return 0

    lax.fori_loop(0, EC // IB, outer, 0, unroll=False)
    plsc.subcore_barrier()

    _rowsplit_copy(s,
                   lambda o, n: acc.at[pl.ds(o, n)],
                   lambda o, n: part_out.at[c, pl.ds(o, n)])


def _dinv_from_deg(deg_blk):
    d = deg_blk[0, :, :1] + deg_blk[1, :, :1] + 1.0
    return lax.rsqrt(d)


def _mm_body(deg_ref, x_ref, w_ref, y_ref):
    dinv = _dinv_from_deg(deg_ref[...])
    xw = jnp.dot(x_ref[...], w_ref[...],
                 preferred_element_type=jnp.float32)
    y_ref[...] = (xw * dinv)[None]


def _stats_body(deg_ref, part_ref, s1_ref, s2_ref):
    dinv = _dinv_from_deg(deg_ref[...])
    u = part_ref[...] * dinv[None, :, :]
    s1_ref[...] = jnp.sum(u, axis=1)[None]
    s2_ref[...] = jnp.sum(u * u, axis=1)[None]


def _bn_body(deg_ref, part_ref, s1_ref, s2_ref, b_ref, g_ref, bt_ref, o_ref):
    dinv = _dinv_from_deg(deg_ref[...])
    u = part_ref[...] * dinv[None, :, :]
    mu = jnp.sum(s1_ref[...], axis=0) / N
    var = jnp.sum(s2_ref[...], axis=0) / N - mu * mu
    b2 = b_ref[...]
    g2 = g_ref[...]
    bt2 = bt_ref[...]
    scale = g2 * lax.rsqrt(var + EPS)
    z = ((u + b2[:, None, :]) - (mu + b2)[:, None, :]) * scale[:, None, :] \
        + bt2[:, None, :]
    z = jnp.maximum(z, 0.0)
    o_ref[...] = jnp.concatenate([z[0], z[1]], axis=1)


def kernel(x, edge_index, W, b, gamma, beta):
    src = edge_index[0]
    dst = edge_index[1]
    pad = E_PAD - E
    src_p = jnp.concatenate([src, jnp.zeros((pad,), jnp.int32)])
    dst_p = jnp.concatenate([dst, jnp.full((pad,), N, jnp.int32)])
    src2 = jnp.stack([src_p, src_p + N]).reshape(NC, NS, EC, CHUNK)
    dst_sc = dst_p.reshape(NS, EC, CHUNK)
    dst_deg = dst_p.reshape(NW, DC, CHUNK)

    deg_part = _deg_kernel(dst_deg)

    grid = N // BLK
    y = pl.pallas_call(
        _mm_body,
        grid=(grid, NC),
        in_specs=[
            pl.BlockSpec((NC, BLK, 16), lambda i, j: (0, i, 0)),
            pl.BlockSpec((BLK, 2 * DH), lambda i, j: (i, 0)),
            pl.BlockSpec((2 * DH, DH), lambda i, j: (0, j)),
        ],
        out_specs=pl.BlockSpec((1, BLK, DH), lambda i, j: (j, i, 0)),
        out_shape=jax.ShapeDtypeStruct((NC, N, DH), jnp.float32),
    )(deg_part, x, W)

    part = _scatter_kernel(y.reshape(NC * N, DH), src2, dst_sc)

    s1, s2 = pl.pallas_call(
        _stats_body,
        grid=(grid,),
        in_specs=[
            pl.BlockSpec((NC, BLK, 16), lambda i: (0, i, 0)),
            pl.BlockSpec((NC, BLK, DH), lambda i: (0, i, 0)),
        ],
        out_specs=[
            pl.BlockSpec((1, NC, DH), lambda i: (i, 0, 0)),
            pl.BlockSpec((1, NC, DH), lambda i: (i, 0, 0)),
        ],
        out_shape=[
            jax.ShapeDtypeStruct((grid, NC, DH), jnp.float32),
            jax.ShapeDtypeStruct((grid, NC, DH), jnp.float32),
        ],
    )(deg_part, part)

    out = pl.pallas_call(
        _bn_body,
        grid=(grid,),
        in_specs=[
            pl.BlockSpec((NC, BLK, 16), lambda i: (0, i, 0)),
            pl.BlockSpec((NC, BLK, DH), lambda i: (0, i, 0)),
            pl.BlockSpec((grid, NC, DH), lambda i: (0, 0, 0)),
            pl.BlockSpec((grid, NC, DH), lambda i: (0, 0, 0)),
            pl.BlockSpec((NC, DH), lambda i: (0, 0)),
            pl.BlockSpec((NC, DH), lambda i: (0, 0)),
            pl.BlockSpec((NC, DH), lambda i: (0, 0)),
        ],
        out_specs=pl.BlockSpec((BLK, 2 * DH), lambda i: (i, 0)),
        out_shape=jax.ShapeDtypeStruct((N, 2 * DH), jnp.float32),
    )(deg_part, part, s1, s2,
      b.reshape(NC, DH), gamma.reshape(NC, DH), beta.reshape(NC, DH))

    return out

# --- scband reference (transcript-rebuilt; emitter-appended) ---
"""Pipeline reference for scband-gcnlayer-12335146074238 (READ-ONLY COPY).

The authoritative reference and input builder live on the scoring server;
editing this copy changes nothing except your own understanding.
"""

import jax, jax.numpy as jnp
import numpy as np

N = 10000
E = 160000
D_IN = 256
D_OUT = 256

def setup_inputs(seed: int = 0) -> dict:
    key = jax.random.key(seed)
    k1, k2, k3 = jax.random.split(key, 3)
    x = jax.random.normal(k1, (N, D_IN), dtype=jnp.float32)
    edge_index = jax.random.randint(k2, (2, E), 0, N, dtype=jnp.int32)
    W = jax.random.normal(k3, (D_IN, D_OUT), dtype=jnp.float32) * (1.0 / np.sqrt(D_IN))
    b = jnp.zeros((D_OUT,), dtype=jnp.float32)
    gamma = jnp.ones((D_OUT,), dtype=jnp.float32)
    beta = jnp.zeros((D_OUT,), dtype=jnp.float32)
    return {"x": x, "edge_index": edge_index, "W": W, "b": b, "gamma": gamma, "beta": beta}

def reference(x, edge_index, W, b, gamma, beta):
    n = x.shape[0]
    src = edge_index[0]
    dst = edge_index[1]
    # add self loops (fill_value = 1.0, improved=False)
    loop = jnp.arange(n, dtype=src.dtype)
    src2 = jnp.concatenate([src, loop])
    dst2 = jnp.concatenate([dst, loop])
    ew = jnp.ones((src2.shape[0],), dtype=x.dtype)
    # symmetric normalization: D^{-1/2} A_hat D^{-1/2}
    deg = jnp.zeros((n,), dtype=x.dtype).at[dst2].add(ew)
    dinv = jnp.where(deg > 0, 1.0 / jnp.sqrt(deg), 0.0)
    norm = dinv[src2] * dinv[dst2]
    # linear transform then propagate (scatter-add over dst)
    xw = x @ W
    msg = xw[src2] * norm[:, None]
    out = jnp.zeros((n, xw.shape[1]), dtype=x.dtype).at[dst2].add(msg)
    out = out + b
    # BatchNorm1d (training mode: batch statistics, biased variance, eps=1e-5)
    mean = jnp.mean(out, axis=0)
    var = jnp.var(out, axis=0)
    out = (out - mean) / jnp.sqrt(var + 1e-5) * gamma + beta
    # ReLU (dropout=0.0 -> identity)
    out = jax.nn.relu(out)
    return out

if __name__ == "__main__":
    import jax
    _d = setup_inputs()
    print(jax.jit(kernel)(*tuple(_d.values())))

</pallas_src>

<mosaic_0001>
#map = affine_map<(d0, d1) -> (0, 0)>
#map1 = affine_map<(d0, d1) -> (0, 0, 0, 0)>
#map2 = affine_map<(d0, d1) -> (0, 0, 0)>
module attributes {stable_mosaic.version = 14 : i64} {
  func.func @_scatter_kernel(%arg0: i32, %arg1: i32, %arg2: memref<20000x128xf32, #tpu.memory_space<hbm>>, %arg3: memref<2x16x80x128xi32, #tpu.memory_space<hbm>>, %arg4: memref<16x80x128xi32, #tpu.memory_space<hbm>>, %arg5: memref<2x10000x128xf32, #tpu.memory_space<hbm>>, %arg6: memref<10016x128xf32, #tpu.memory_space<vmem_shared>>, %arg7: memref<16x128xi32, #tpu.memory_space<vmem>>, %arg8: memref<16x128xi32, #tpu.memory_space<vmem>>, %arg9: memref<2x128x128xf32, #tpu.memory_space<vmem>>, %arg10: memref<!tpu.dma_semaphore, #tpu.memory_space<semaphore_mem>>, %arg11: memref<!tpu.dma_semaphore, #tpu.memory_space<semaphore_mem>>) attributes {dimension_semantics = [#tpu.dimension_semantics<core_parallel>, #tpu.dimension_semantics<subcore_parallel>], iteration_bounds = array<i64: 2, 16>, scalar_prefetch = 0 : i64, scratch_operands = 6 : i64, tpu.core_type = #tpu.core_type<sc_vector_subcore>, window_params = [{transform_indices = #map}, {transform_indices = #map1}, {transform_indices = #map2}, {transform_indices = #map2}]} {
    %mul3A = arith.constant 10000 : i32
    %mul3A_0 = arith.muli %arg0, %mul3A : i32
    %mul3A_1 = arith.constant 632 : i32
    %mul3A_2 = arith.muli %arg1, %mul3A_1 : i32
    %lt3A = arith.constant 15 : i32
    %lt3A_3 = arith.cmpi slt, %arg1, %lt3A : i32
    %convert_element_type3A = arith.extui %lt3A_3 : i1 to i32
    %cond3A = arith.constant 0 : i32
    %cond3A_4 = arith.cmpi ne, %convert_element_type3A, %cond3A : i32
    scf.if %cond3A_4 {
      %add3A = arith.addi %mul3A_0, %mul3A_2 : i32
      "tpu.region"() ({
        %run_scoped3A = tpu.sem_alloc : memref<!tpu.dma_semaphore, #tpu.memory_space<semaphore_mem>>
        %dma_start3A = arith.constant 0 : i32
        %dma_start3A_28 = tpu.memref_slice %arg6[%mul3A_2, %dma_start3A] : memref<10016x128xf32, #tpu.memory_space<vmem_shared>> -> memref<632x128xf32, #tpu.memory_space<vmem_shared>>
        %dma_start3A_29 = arith.constant 0 : i32
        %dma_start3A_30 = tpu.memref_slice %arg2[%add3A, %dma_start3A_29] : memref<20000x128xf32, #tpu.memory_space<hbm>> -> memref<632x128xf32, #tpu.memory_space<hbm>>
        tpu.enqueue_dma source(%dma_start3A_30 : memref<632x128xf32, #tpu.memory_space<hbm>>) target(%dma_start3A_28 : memref<632x128xf32, #tpu.memory_space<vmem_shared>>) target_semaphore(%run_scoped3A : memref<!tpu.dma_semaphore, #tpu.memory_space<semaphore_mem>>)
        %dma_wait3A = arith.constant 0 : i32
        %dma_wait3A_31 = tpu.memref_slice %arg6[%mul3A_2, %dma_wait3A] : memref<10016x128xf32, #tpu.memory_space<vmem_shared>> -> memref<632x128xf32, #tpu.memory_space<vmem_shared>>
        %dma_wait3A_32 = arith.constant 0 : i32
        %dma_wait3A_33 = tpu.memref_slice %arg2[%add3A, %dma_wait3A_32] : memref<20000x128xf32, #tpu.memory_space<hbm>> -> memref<632x128xf32, #tpu.memory_space<hbm>>
        tpu.wait_dma2 semaphore(%run_scoped3A : memref<!tpu.dma_semaphore, #tpu.memory_space<semaphore_mem>>) src(%dma_wait3A_33 : memref<632x128xf32, #tpu.memory_space<hbm>>) dst(%dma_wait3A_31 : memref<632x128xf32, #tpu.memory_space<vmem_shared>>)
        tpu.yield
      }) : () -> ()
    } else {
    }
    %eq3A = arith.constant 15 : i32
    %eq3A_5 = arith.cmpi eq, %arg1, %eq3A : i32
    %convert_element_type3A_6 = arith.extui %eq3A_5 : i1 to i32
    %cond3A_7 = arith.constant 0 : i32
    %cond3A_8 = arith.cmpi ne, %convert_element_type3A_6, %cond3A_7 : i32
    scf.if %cond3A_8 {
      %add3A = arith.addi %mul3A_0, %mul3A_2 : i32
      "tpu.region"() ({
        %run_scoped3A = tpu.sem_alloc : memref<!tpu.dma_semaphore, #tpu.memory_space<semaphore_mem>>
        %dma_start3A = arith.constant 0 : i32
        %dma_start3A_28 = tpu.memref_slice %arg6[%mul3A_2, %dma_start3A] : memref<10016x128xf32, #tpu.memory_space<vmem_shared>> -> memref<520x128xf32, #tpu.memory_space<vmem_shared>>
        %dma_start3A_29 = arith.constant 0 : i32
        %dma_start3A_30 = tpu.memref_slice %arg2[%add3A, %dma_start3A_29] : memref<20000x128xf32, #tpu.memory_space<hbm>> -> memref<520x128xf32, #tpu.memory_space<hbm>>
        tpu.enqueue_dma source(%dma_start3A_30 : memref<520x128xf32, #tpu.memory_space<hbm>>) target(%dma_start3A_28 : memref<520x128xf32, #tpu.memory_space<vmem_shared>>) target_semaphore(%run_scoped3A : memref<!tpu.dma_semaphore, #tpu.memory_space<semaphore_mem>>)
        %dma_wait3A = arith.constant 0 : i32
        %dma_wait3A_31 = tpu.memref_slice %arg6[%mul3A_2, %dma_wait3A] : memref<10016x128xf32, #tpu.memory_space<vmem_shared>> -> memref<520x128xf32, #tpu.memory_space<vmem_shared>>
        %dma_wait3A_32 = arith.constant 0 : i32
        %dma_wait3A_33 = tpu.memref_slice %arg2[%add3A, %dma_wait3A_32] : memref<20000x128xf32, #tpu.memory_space<hbm>> -> memref<520x128xf32, #tpu.memory_space<hbm>>
        tpu.wait_dma2 semaphore(%run_scoped3A : memref<!tpu.dma_semaphore, #tpu.memory_space<semaphore_mem>>) src(%dma_wait3A_33 : memref<520x128xf32, #tpu.memory_space<hbm>>) dst(%dma_wait3A_31 : memref<520x128xf32, #tpu.memory_space<vmem_shared>>)
        tpu.yield
      }) : () -> ()
    } else {
    }
    %barrier3A = arith.constant 0 : index
    tpu.barrier barrier_id(%barrier3A)
    %scan3A = arith.constant 0 : i32
    %scan3A_9 = arith.constant 0 : i32
    %scan3A_10 = arith.constant 5 : i32
    %scan3A_11 = arith.addi %scan3A_9, %scan3A_10 : i32
    %scan3A_12 = arith.constant 1 : i32
    %scan3A_13 = scf.for %scan3A_28 = %scan3A_9 to %scan3A_11 step %scan3A_12 iter_args(%scan3A_29 = %scan3A) -> (i32)  : i32 {
      %mul3A_30 = arith.constant 16 : i32
      %mul3A_31 = arith.muli %scan3A_28, %mul3A_30 : i32
      "tpu.region"() ({
        %run_scoped3A = tpu.sem_alloc : memref<!tpu.dma_semaphore, #tpu.memory_space<semaphore_mem>>
        %dma_start3A_65 = arith.constant 0 : i32
        %dma_start3A_66 = tpu.memref_slice %arg3[%arg0, %arg1, %mul3A_31, %dma_start3A_65] : memref<2x16x80x128xi32, #tpu.memory_space<hbm>> -> memref<1x1x16x128xi32, #tpu.memory_space<hbm>>
        %dma_start3A_67 = tpu.memref_squeeze %dma_start3A_66 : memref<1x1x16x128xi32, #tpu.memory_space<hbm>> -> memref<16x128xi32, #tpu.memory_space<hbm>>
        %dma_start3A_68 = arith.constant 0 : i32
        %dma_start3A_69 = tpu.memref_slice %arg3[%arg0, %arg1, %mul3A_31, %dma_start3A_68] : memref<2x16x80x128xi32, #tpu.memory_space<hbm>> -> memref<1x1x16x128xi32, #tpu.memory_space<hbm>>
        %dma_start3A_70 = tpu.memref_squeeze %dma_start3A_69 : memref<1x1x16x128xi32, #tpu.memory_space<hbm>> -> memref<16x128xi32, #tpu.memory_space<hbm>>
        tpu.enqueue_dma source(%dma_start3A_70 : memref<16x128xi32, #tpu.memory_space<hbm>>) target(%arg7 : memref<16x128xi32, #tpu.memory_space<vmem>>) target_semaphore(%run_scoped3A : memref<!tpu.dma_semaphore, #tpu.memory_space<semaphore_mem>>)
        %dma_wait3A = arith.constant 0 : i32
        %dma_wait3A_71 = tpu.memref_slice %arg3[%arg0, %arg1, %mul3A_31, %dma_wait3A] : memref<2x16x80x128xi32, #tpu.memory_space<hbm>> -> memref<1x1x16x128xi32, #tpu.memory_space<hbm>>
        %dma_wait3A_72 = tpu.memref_squeeze %dma_wait3A_71 : memref<1x1x16x128xi32, #tpu.memory_space<hbm>> -> memref<16x128xi32, #tpu.memory_space<hbm>>
        %dma_wait3A_73 = arith.constant 0 : i32
        %dma_wait3A_74 = tpu.memref_slice %arg3[%arg0, %arg1, %mul3A_31, %dma_wait3A_73] : memref<2x16x80x128xi32, #tpu.memory_space<hbm>> -> memref<1x1x16x128xi32, #tpu.memory_space<hbm>>
        %dma_wait3A_75 = tpu.memref_squeeze %dma_wait3A_74 : memref<1x1x16x128xi32, #tpu.memory_space<hbm>> -> memref<16x128xi32, #tpu.memory_space<hbm>>
        tpu.wait_dma2 semaphore(%run_scoped3A : memref<!tpu.dma_semaphore, #tpu.memory_space<semaphore_mem>>) src(%dma_wait3A_75 : memref<16x128xi32, #tpu.memory_space<hbm>>) dst(%arg7 : memref<16x128xi32, #tpu.memory_space<vmem>>)
        tpu.yield
      }) : () -> ()
      %mul3A_32 = arith.constant 16 : i32
      %mul3A_33 = arith.muli %scan3A_28, %mul3A_32 : i32
      "tpu.region"() ({
        %run_scoped3A = tpu.sem_alloc : memref<!tpu.dma_semaphore, #tpu.memory_space<semaphore_mem>>
        %dma_start3A_65 = arith.constant 0 : i32
        %dma_start3A_66 = tpu.memref_slice %arg4[%arg1, %mul3A_33, %dma_start3A_65] : memref<16x80x128xi32, #tpu.memory_space<hbm>> -> memref<1x16x128xi32, #tpu.memory_space<hbm>>
        %dma_start3A_67 = tpu.memref_squeeze %dma_start3A_66 : memref<1x16x128xi32, #tpu.memory_space<hbm>> -> memref<16x128xi32, #tpu.memory_space<hbm>>
        %dma_start3A_68 = arith.constant 0 : i32
        %dma_start3A_69 = tpu.memref_slice %arg4[%arg1, %mul3A_33, %dma_start3A_68] : memref<16x80x128xi32, #tpu.memory_space<hbm>> -> memref<1x16x128xi32, #tpu.memory_space<hbm>>
        %dma_start3A_70 = tpu.memref_squeeze %dma_start3A_69 : memref<1x16x128xi32, #tpu.memory_space<hbm>> -> memref<16x128xi32, #tpu.memory_space<hbm>>
        tpu.enqueue_dma source(%dma_start3A_70 : memref<16x128xi32, #tpu.memory_space<hbm>>) target(%arg8 : memref<16x128xi32, #tpu.memory_space<vmem>>) target_semaphore(%run_scoped3A : memref<!tpu.dma_semaphore, #tpu.memory_space<semaphore_mem>>)
        %dma_wait3A = arith.constant 0 : i32
        %dma_wait3A_71 = tpu.memref_slice %arg4[%arg1, %mul3A_33, %dma_wait3A] : memref<16x80x128xi32, #tpu.memory_space<hbm>> -> memref<1x16x128xi32, #tpu.memory_space<hbm>>
        %dma_wait3A_72 = tpu.memref_squeeze %dma_wait3A_71 : memref<1x16x128xi32, #tpu.memory_space<hbm>> -> memref<16x128xi32, #tpu.memory_space<hbm>>
        %dma_wait3A_73 = arith.constant 0 : i32
        %dma_wait3A_74 = tpu.memref_slice %arg4[%arg1, %mul3A_33, %dma_wait3A_73] : memref<16x80x128xi32, #tpu.memory_space<hbm>> -> memref<1x16x128xi32, #tpu.memory_space<hbm>>
        %dma_wait3A_75 = tpu.memref_squeeze %dma_wait3A_74 : memref<1x16x128xi32, #tpu.memory_space<hbm>> -> memref<16x128xi32, #tpu.memory_space<hbm>>
        tpu.wait_dma2 semaphore(%run_scoped3A : memref<!tpu.dma_semaphore, #tpu.memory_space<semaphore_mem>>) src(%dma_wait3A_75 : memref<16x128xi32, #tpu.memory_space<hbm>>) dst(%arg8 : memref<16x128xi32, #tpu.memory_space<vmem>>)
        tpu.yield
      }) : () -> ()
      %dma_start3A = arith.constant 0 : i32
      %dma_start3A_34 = arith.constant 0 : i32
      %dma_start3A_35 = arith.constant 0 : i32
      %dma_start3A_36 = arith.constant 0 : i32
      %dma_start3A_37 = tpu.memref_slice %arg9[%dma_start3A_34, %dma_start3A_35, %dma_start3A_36] : memref<2x128x128xf32, #tpu.memory_space<vmem>> -> memref<1x128x128xf32, #tpu.memory_space<vmem>>
      %dma_start3A_38 = tpu.memref_squeeze %dma_start3A_37 : memref<1x128x128xf32, #tpu.memory_space<vmem>> -> memref<128x128xf32, #tpu.memory_space<vmem>>
      %dma_start3A_39 = arith.constant 0 : i32
      %dma_start3A_40 = tpu.memref_slice %arg7[%dma_start3A, %dma_start3A_39] : memref<16x128xi32, #tpu.memory_space<vmem>> -> memref<1x128xi32, #tpu.memory_space<vmem>>
      %dma_start3A_41 = tpu.memref_squeeze %dma_start3A_40 : memref<1x128xi32, #tpu.memory_space<vmem>> -> memref<128xi32, #tpu.memory_space<vmem>>
      %dma_start3A_42 = arith.constant 0 : i32
      %dma_start3A_43 = arith.constant 0 : i32
      %dma_start3A_44 = tpu.memref_slice %arg2[%dma_start3A_42, %dma_start3A_43] : memref<20000x128xf32, #tpu.memory_space<hbm>> -> memref<20000x128xf32, #tpu.memory_space<hbm>>
      tpu.enqueue_indirect_dma source(%dma_start3A_44 : memref<20000x128xf32, #tpu.memory_space<hbm>>) target(%dma_start3A_38 : memref<128x128xf32, #tpu.memory_space<vmem>>) offsets(%dma_start3A_41 : memref<128xi32, #tpu.memory_space<vmem>>) semaphore(%arg10 : memref<!tpu.dma_semaphore, #tpu.memory_space<semaphore_mem>>)
      %dma_start3A_45 = arith.constant 1 : i32
      %dma_start3A_46 = arith.constant 1 : i32
      %dma_start3A_47 = arith.constant 0 : i32
      %dma_start3A_48 = arith.constant 0 : i32
      %dma_start3A_49 = tpu.memref_slice %arg9[%dma_start3A_46, %dma_start3A_47, %dma_start3A_48] : memref<2x128x128xf32, #tpu.memory_space<vmem>> -> memref<1x128x128xf32, #tpu.memory_space<vmem>>
      %dma_start3A_50 = tpu.memref_squeeze %dma_start3A_49 : memref<1x128x128xf32, #tpu.memory_space<vmem>> -> memref<128x128xf32, #tpu.memory_space<vmem>>
      %dma_start3A_51 = arith.constant 0 : i32
      %dma_start3A_52 = tpu.memref_slice %arg7[%dma_start3A_45, %dma_start3A_51] : memref<16x128xi32, #tpu.memory_space<vmem>> -> memref<1x128xi32, #tpu.memory_space<vmem>>
      %dma_start3A_53 = tpu.memref_squeeze %dma_start3A_52 : memref<1x128xi32, #tpu.memory_space<vmem>> -> memref<128xi32, #tpu.memory_space<vmem>>
      %dma_start3A_54 = arith.constant 0 : i32
      %dma_start3A_55 = arith.constant 0 : i32
      %dma_start3A_56 = tpu.memref_slice %arg2[%dma_start3A_54, %dma_start3A_55] : memref<20000x128xf32, #tpu.memory_space<hbm>> -> memref<20000x128xf32, #tpu.memory_space<hbm>>
      tpu.enqueue_indirect_dma source(%dma_start3A_56 : memref<20000x128xf32, #tpu.memory_space<hbm>>) target(%dma_start3A_50 : memref<128x128xf32, #tpu.memory_space<vmem>>) offsets(%dma_start3A_53 : memref<128xi32, #tpu.memory_space<vmem>>) semaphore(%arg11 : memref<!tpu.dma_semaphore, #tpu.memory_space<semaphore_mem>>)
      %scan3A_57 = arith.constant 0 : i32
      %scan3A_58 = arith.constant 0 : i32
      %scan3A_59 = arith.constant 8 : i32
      %scan3A_60 = arith.addi %scan3A_58, %scan3A_59 : i32
      %scan3A_61 = arith.constant 1 : i32
      %scan3A_62 = scf.for %scan3A_65 = %scan3A_58 to %scan3A_60 step %scan3A_61 iter_args(%scan3A_66 = %scan3A_57) -> (i32)  : i32 {
        %mul3A_67 = arith.constant 2 : i32
        %mul3A_68 = arith.muli %mul3A_67, %scan3A_65 : i32
        %add3A = arith.constant 1 : i32
        %add3A_69 = arith.addi %mul3A_68, %add3A : i32
        %dma_wait3A = arith.constant 0 : i32
        %dma_wait3A_70 = arith.constant 0 : i32
        %dma_wait3A_71 = arith.constant 0 : i32
        %dma_wait3A_72 = tpu.memref_slice %arg9[%dma_wait3A, %dma_wait3A_70, %dma_wait3A_71] : memref<2x128x128xf32, #tpu.memory_space<vmem>> -> memref<1x128x128xf32, #tpu.memory_space<vmem>>
        %dma_wait3A_73 = tpu.memref_squeeze %dma_wait3A_72 : memref<1x128x128xf32, #tpu.memory_space<vmem>> -> memref<128x128xf32, #tpu.memory_space<vmem>>
        %dma_wait3A_74 = arith.constant 0 : i32
        %dma_wait3A_75 = tpu.memref_slice %arg7[%mul3A_68, %dma_wait3A_74] : memref<16x128xi32, #tpu.memory_space<vmem>> -> memref<1x128xi32, #tpu.memory_space<vmem>>
        %dma_wait3A_76 = tpu.memref_squeeze %dma_wait3A_75 : memref<1x128xi32, #tpu.memory_space<vmem>> -> memref<128xi32, #tpu.memory_space<vmem>>
        %dma_wait3A_77 = arith.constant 0 : i32
        %dma_wait3A_78 = arith.constant 0 : i32
        %dma_wait3A_79 = tpu.memref_slice %arg2[%dma_wait3A_77, %dma_wait3A_78] : memref<20000x128xf32, #tpu.memory_space<hbm>> -> memref<20000x128xf32, #tpu.memory_space<hbm>>
        tpu.wait_indirect_dma semaphore(%arg10 : memref<!tpu.dma_semaphore, #tpu.memory_space<semaphore_mem>>) src(%dma_wait3A_79 : memref<20000x128xf32, #tpu.memory_space<hbm>>) dst(%dma_wait3A_73 : memref<128x128xf32, #tpu.memory_space<vmem>>)
        %run_scoped3A = arith.constant 0 : i32
        "tpu.region"() ({
          %run_scoped3A_107 = tpu.sem_alloc : memref<!tpu.dma_semaphore, #tpu.memory_space<semaphore_mem>>
          %dma_start3A_108 = arith.constant 0 : i32
          %dma_start3A_109 = arith.constant 0 : i32
          %dma_start3A_110 = tpu.memref_slice %arg9[%run_scoped3A, %dma_start3A_108, %dma_start3A_109] : memref<2x128x128xf32, #tpu.memory_space<vmem>> -> memref<1x128x128xf32, #tpu.memory_space<vmem>>
          %dma_start3A_111 = tpu.memref_squeeze %dma_start3A_110 : memref<1x128x128xf32, #tpu.memory_space<vmem>> -> memref<128x128xf32, #tpu.memory_space<vmem>>
          %dma_start3A_112 = arith.constant 0 : i32
          %dma_start3A_113 = tpu.memref_slice %arg8[%mul3A_68, %dma_start3A_112] : memref<16x128xi32, #tpu.memory_space<vmem>> -> memref<1x128xi32, #tpu.memory_space<vmem>>
          %dma_start3A_114 = tpu.memref_squeeze %dma_start3A_113 : memref<1x128xi32, #tpu.memory_space<vmem>> -> memref<128xi32, #tpu.memory_space<vmem>>
          %dma_start3A_115 = arith.constant 0 : i32
          %dma_start3A_116 = arith.constant 0 : i32
          %dma_start3A_117 = tpu.memref_slice %arg6[%dma_start3A_115, %dma_start3A_116] : memref<10016x128xf32, #tpu.memory_space<vmem_shared>> -> memref<10016x128xf32, #tpu.memory_space<vmem_shared>>
          tpu.enqueue_indirect_dma source(%dma_start3A_111 : memref<128x128xf32, #tpu.memory_space<vmem>>) target(%dma_start3A_117 : memref<10016x128xf32, #tpu.memory_space<vmem_shared>>) offsets(%dma_start3A_114 : memref<128xi32, #tpu.memory_space<vmem>>) semaphore(%run_scoped3A_107 : memref<!tpu.dma_semaphore, #tpu.memory_space<semaphore_mem>>) {add = true}
          %dma_wait3A_118 = arith.constant 0 : i32
          %dma_wait3A_119 = arith.constant 0 : i32
          %dma_wait3A_120 = tpu.memref_slice %arg9[%run_scoped3A, %dma_wait3A_118, %dma_wait3A_119] : memref<2x128x128xf32, #tpu.memory_space<vmem>> -> memref<1x128x128xf32, #tpu.memory_space<vmem>>
          %dma_wait3A_121 = tpu.memref_squeeze %dma_wait3A_120 : memref<1x128x128xf32, #tpu.memory_space<vmem>> -> memref<128x128xf32, #tpu.memory_space<vmem>>
          %dma_wait3A_122 = arith.constant 0 : i32
          %dma_wait3A_123 = tpu.memref_slice %arg8[%mul3A_68, %dma_wait3A_122] : memref<16x128xi32, #tpu.memory_space<vmem>> -> memref<1x128xi32, #tpu.memory_space<vmem>>
          %dma_wait3A_124 = tpu.memref_squeeze %dma_wait3A_123 : memref<1x128xi32, #tpu.memory_space<vmem>> -> memref<128xi32, #tpu.memory_space<vmem>>
          %dma_wait3A_125 = arith.constant 0 : i32
          %dma_wait3A_126 = arith.constant 0 : i32
          %dma_wait3A_127 = tpu.memref_slice %arg6[%dma_wait3A_125, %dma_wait3A_126] : memref<10016x128xf32, #tpu.memory_space<vmem_shared>> -> memref<10016x128xf32, #tpu.memory_space<vmem_shared>>
          tpu.wait_indirect_dma semaphore(%run_scoped3A_107 : memref<!tpu.dma_semaphore, #tpu.memory_space<semaphore_mem>>) src(%dma_wait3A_121 : memref<128x128xf32, #tpu.memory_space<vmem>>) dst(%dma_wait3A_127 : memref<10016x128xf32, #tpu.memory_space<vmem_shared>>)
          tpu.yield
        }) : () -> ()
        %add3A_80 = arith.constant 2 : i32
        %add3A_81 = arith.addi %mul3A_68, %add3A_80 : i32
        %lt3A_82 = arith.constant 16 : i32
        %lt3A_83 = arith.cmpi slt, %add3A_81, %lt3A_82 : i32
        %convert_element_type3A_84 = arith.extui %lt3A_83 : i1 to i32
        %cond3A_85 = arith.constant 0 : i32
        %cond3A_86 = arith.cmpi ne, %convert_element_type3A_84, %cond3A_85 : i32
        scf.if %cond3A_86 {
          %add3A_107 = arith.constant 2 : i32
          %add3A_108 = arith.addi %mul3A_68, %add3A_107 : i32
          %dma_start3A_109 = arith.constant 0 : i32
          %dma_start3A_110 = arith.constant 0 : i32
          %dma_start3A_111 = arith.constant 0 : i32
          %dma_start3A_112 = tpu.memref_slice %arg9[%dma_start3A_109, %dma_start3A_110, %dma_start3A_111] : memref<2x128x128xf32, #tpu.memory_space<vmem>> -> memref<1x128x128xf32, #tpu.memory_space<vmem>>
          %dma_start3A_113 = tpu.memref_squeeze %dma_start3A_112 : memref<1x128x128xf32, #tpu.memory_space<vmem>> -> memref<128x128xf32, #tpu.memory_space<vmem>>
          %dma_start3A_114 = arith.constant 0 : i32
          %dma_start3A_115 = tpu.memref_slice %arg7[%add3A_108, %dma_start3A_114] : memref<16x128xi32, #tpu.memory_space<vmem>> -> memref<1x128xi32, #tpu.memory_space<vmem>>
          %dma_start3A_116 = tpu.memref_squeeze %dma_start3A_115 : memref<1x128xi32, #tpu.memory_space<vmem>> -> memref<128xi32, #tpu.memory_space<vmem>>
          %dma_start3A_117 = arith.constant 0 : i32
          %dma_start3A_118 = arith.constant 0 : i32
          %dma_start3A_119 = tpu.memref_slice %arg2[%dma_start3A_117, %dma_start3A_118] : memref<20000x128xf32, #tpu.memory_space<hbm>> -> memref<20000x128xf32, #tpu.memory_space<hbm>>
          tpu.enqueue_indirect_dma source(%dma_start3A_119 : memref<20000x128xf32, #tpu.memory_space<hbm>>) target(%dma_start3A_113 : memref<128x128xf32, #tpu.memory_space<vmem>>) offsets(%dma_start3A_116 : memref<128xi32, #tpu.memory_space<vmem>>) semaphore(%arg10 : memref<!tpu.dma_semaphore, #tpu.memory_space<semaphore_mem>>)
        } else {
        }
        %dma_wait3A_87 = arith.constant 1 : i32
        %dma_wait3A_88 = arith.constant 0 : i32
        %dma_wait3A_89 = arith.constant 0 : i32
        %dma_wait3A_90 = tpu.memref_slice %arg9[%dma_wait3A_87, %dma_wait3A_88, %dma_wait3A_89] : memref<2x128x128xf32, #tpu.memory_space<vmem>> -> memref<1x128x128xf32, #tpu.memory_space<vmem>>
        %dma_wait3A_91 = tpu.memref_squeeze %dma_wait3A_90 : memref<1x128x128xf32, #tpu.memory_space<vmem>> -> memref<128x128xf32, #tpu.memory_space<vmem>>
        %dma_wait3A_92 = arith.constant 0 : i32
        %dma_wait3A_93 = tpu.memref_slice %arg7[%add3A_69, %dma_wait3A_92] : memref<16x128xi32, #tpu.memory_space<vmem>> -> memref<1x128xi32, #tpu.memory_space<vmem>>
        %dma_wait3A_94 = tpu.memref_squeeze %dma_wait3A_93 : memref<1x128xi32, #tpu.memory_space<vmem>> -> memref<128xi32, #tpu.memory_space<vmem>>
        %dma_wait3A_95 = arith.constant 0 : i32
        %dma_wait3A_96 = arith.constant 0 : i32
        %dma_wait3A_97 = tpu.memref_slice %arg2[%dma_wait3A_95, %dma_wait3A_96] : memref<20000x128xf32, #tpu.memory_space<hbm>> -> memref<20000x128xf32, #tpu.memory_space<hbm>>
        tpu.wait_indirect_dma semaphore(%arg11 : memref<!tpu.dma_semaphore, #tpu.memory_space<semaphore_mem>>) src(%dma_wait3A_97 : memref<20000x128xf32, #tpu.memory_space<hbm>>) dst(%dma_wait3A_91 : memref<128x128xf32, #tpu.memory_space<vmem>>)
        %run_scoped3A_98 = arith.constant 1 : i32
        "tpu.region"() ({
          %run_scoped3A_107 = tpu.sem_alloc : memref<!tpu.dma_semaphore, #tpu.memory_space<semaphore_mem>>
          %dma_start3A_108 = arith.constant 0 : i32
          %dma_start3A_109 = arith.constant 0 : i32
          %dma_start3A_110 = tpu.memref_slice %arg9[%run_scoped3A_98, %dma_start3A_108, %dma_start3A_109] : memref<2x128x128xf32, #tpu.memory_space<vmem>> -> memref<1x128x128xf32, #tpu.memory_space<vmem>>
          %dma_start3A_111 = tpu.memref_squeeze %dma_start3A_110 : memref<1x128x128xf32, #tpu.memory_space<vmem>> -> memref<128x128xf32, #tpu.memory_space<vmem>>
          %dma_start3A_112 = arith.constant 0 : i32
          %dma_start3A_113 = tpu.memref_slice %arg8[%add3A_69, %dma_start3A_112] : memref<16x128xi32, #tpu.memory_space<vmem>> -> memref<1x128xi32, #tpu.memory_space<vmem>>
          %dma_start3A_114 = tpu.memref_squeeze %dma_start3A_113 : memref<1x128xi32, #tpu.memory_space<vmem>> -> memref<128xi32, #tpu.memory_space<vmem>>
          %dma_start3A_115 = arith.constant 0 : i32
          %dma_start3A_116 = arith.constant 0 : i32
          %dma_start3A_117 = tpu.memref_slice %arg6[%dma_start3A_115, %dma_start3A_116] : memref<10016x128xf32, #tpu.memory_space<vmem_shared>> -> memref<10016x128xf32, #tpu.memory_space<vmem_shared>>
          tpu.enqueue_indirect_dma source(%dma_start3A_111 : memref<128x128xf32, #tpu.memory_space<vmem>>) target(%dma_start3A_117 : memref<10016x128xf32, #tpu.memory_space<vmem_shared>>) offsets(%dma_start3A_114 : memref<128xi32, #tpu.memory_space<vmem>>) semaphore(%run_scoped3A_107 : memref<!tpu.dma_semaphore, #tpu.memory_space<semaphore_mem>>) {add = true}
          %dma_wait3A_118 = arith.constant 0 : i32
          %dma_wait3A_119 = arith.constant 0 : i32
          %dma_wait3A_120 = tpu.memref_slice %arg9[%run_scoped3A_98, %dma_wait3A_118, %dma_wait3A_119] : memref<2x128x128xf32, #tpu.memory_space<vmem>> -> memref<1x128x128xf32, #tpu.memory_space<vmem>>
          %dma_wait3A_121 = tpu.memref_squeeze %dma_wait3A_120 : memref<1x128x128xf32, #tpu.memory_space<vmem>> -> memref<128x128xf32, #tpu.memory_space<vmem>>
          %dma_wait3A_122 = arith.constant 0 : i32
          %dma_wait3A_123 = tpu.memref_slice %arg8[%add3A_69, %dma_wait3A_122] : memref<16x128xi32, #tpu.memory_space<vmem>> -> memref<1x128xi32, #tpu.memory_space<vmem>>
          %dma_wait3A_124 = tpu.memref_squeeze %dma_wait3A_123 : memref<1x128xi32, #tpu.memory_space<vmem>> -> memref<128xi32, #tpu.memory_space<vmem>>
          %dma_wait3A_125 = arith.constant 0 : i32
          %dma_wait3A_126 = arith.constant 0 : i32
          %dma_wait3A_127 = tpu.memref_slice %arg6[%dma_wait3A_125, %dma_wait3A_126] : memref<10016x128xf32, #tpu.memory_space<vmem_shared>> -> memref<10016x128xf32, #tpu.memory_space<vmem_shared>>
          tpu.wait_indirect_dma semaphore(%run_scoped3A_107 : memref<!tpu.dma_semaphore, #tpu.memory_space<semaphore_mem>>) src(%dma_wait3A_121 : memref<128x128xf32, #tpu.memory_space<vmem>>) dst(%dma_wait3A_127 : memref<10016x128xf32, #tpu.memory_space<vmem_shared>>)
          tpu.yield
        }) : () -> ()
        %add3A_99 = arith.constant 2 : i32
        %add3A_100 = arith.addi %add3A_69, %add3A_99 : i32
        %lt3A_101 = arith.constant 16 : i32
        %lt3A_102 = arith.cmpi slt, %add3A_100, %lt3A_101 : i32
        %convert_element_type3A_103 = arith.extui %lt3A_102 : i1 to i32
        %cond3A_104 = arith.constant 0 : i32
        %cond3A_105 = arith.cmpi ne, %convert_element_type3A_103, %cond3A_104 : i32
        scf.if %cond3A_105 {
          %add3A_107 = arith.constant 2 : i32
          %add3A_108 = arith.addi %add3A_69, %add3A_107 : i32
          %dma_start3A_109 = arith.constant 1 : i32
          %dma_start3A_110 = arith.constant 0 : i32
          %dma_start3A_111 = arith.constant 0 : i32
          %dma_start3A_112 = tpu.memref_slice %arg9[%dma_start3A_109, %dma_start3A_110, %dma_start3A_111] : memref<2x128x128xf32, #tpu.memory_space<vmem>> -> memref<1x128x128xf32, #tpu.memory_space<vmem>>
          %dma_start3A_113 = tpu.memref_squeeze %dma_start3A_112 : memref<1x128x128xf32, #tpu.memory_space<vmem>> -> memref<128x128xf32, #tpu.memory_space<vmem>>
          %dma_start3A_114 = arith.constant 0 : i32
          %dma_start3A_115 = tpu.memref_slice %arg7[%add3A_108, %dma_start3A_114] : memref<16x128xi32, #tpu.memory_space<vmem>> -> memref<1x128xi32, #tpu.memory_space<vmem>>
          %dma_start3A_116 = tpu.memref_squeeze %dma_start3A_115 : memref<1x128xi32, #tpu.memory_space<vmem>> -> memref<128xi32, #tpu.memory_space<vmem>>
          %dma_start3A_117 = arith.constant 0 : i32
          %dma_start3A_118 = arith.constant 0 : i32
          %dma_start3A_119 = tpu.memref_slice %arg2[%dma_start3A_117, %dma_start3A_118] : memref<20000x128xf32, #tpu.memory_space<hbm>> -> memref<20000x128xf32, #tpu.memory_space<hbm>>
          tpu.enqueue_indirect_dma source(%dma_start3A_119 : memref<20000x128xf32, #tpu.memory_space<hbm>>) target(%dma_start3A_113 : memref<128x128xf32, #tpu.memory_space<vmem>>) offsets(%dma_start3A_116 : memref<128xi32, #tpu.memory_space<vmem>>) semaphore(%arg11 : memref<!tpu.dma_semaphore, #tpu.memory_space<semaphore_mem>>)
        } else {
        }
        %scan3A_106 = arith.constant 0 : i32
        scf.yield %scan3A_106 : i32
      }
      %scan3A_63 = arith.constant 8 : i32
      %scan3A_64 = arith.constant 0 : i32
      scf.yield %scan3A_64 : i32
    }
    %scan3A_14 = arith.constant 5 : i32
    %barrier3A_15 = arith.constant 0 : index
    tpu.barrier barrier_id(%barrier3A_15)
    %mul3A_16 = arith.constant 632 : i32
    %mul3A_17 = arith.muli %arg1, %mul3A_16 : i32
    %lt3A_18 = arith.constant 15 : i32
    %lt3A_19 = arith.cmpi slt, %arg1, %lt3A_18 : i32
    %convert_element_type3A_20 = arith.extui %lt3A_19 : i1 to i32
    %cond3A_21 = arith.constant 0 : i32
    %cond3A_22 = arith.cmpi ne, %convert_element_type3A_20, %cond3A_21 : i32
    scf.if %cond3A_22 {
      "tpu.region"() ({
        %run_scoped3A = tpu.sem_alloc : memref<!tpu.dma_semaphore, #tpu.memory_space<semaphore_mem>>
        %dma_start3A = arith.constant 0 : i32
        %dma_start3A_28 = tpu.memref_slice %arg5[%arg0, %mul3A_17, %dma_start3A] : memref<2x10000x128xf32, #tpu.memory_space<hbm>> -> memref<1x632x128xf32, #tpu.memory_space<hbm>>
        %dma_start3A_29 = tpu.memref_squeeze %dma_start3A_28 : memref<1x632x128xf32, #tpu.memory_space<hbm>> -> memref<632x128xf32, #tpu.memory_space<hbm>>
        %dma_start3A_30 = arith.constant 0 : i32
        %dma_start3A_31 = tpu.memref_slice %arg6[%mul3A_17, %dma_start3A_30] : memref<10016x128xf32, #tpu.memory_space<vmem_shared>> -> memref<632x128xf32, #tpu.memory_space<vmem_shared>>
        tpu.enqueue_dma source(%dma_start3A_31 : memref<632x128xf32, #tpu.memory_space<vmem_shared>>) target(%dma_start3A_29 : memref<632x128xf32, #tpu.memory_space<hbm>>) target_semaphore(%run_scoped3A : memref<!tpu.dma_semaphore, #tpu.memory_space<semaphore_mem>>)
        %dma_wait3A = arith.constant 0 : i32
        %dma_wait3A_32 = tpu.memref_slice %arg5[%arg0, %mul3A_17, %dma_wait3A] : memref<2x10000x128xf32, #tpu.memory_space<hbm>> -> memref<1x632x128xf32, #tpu.memory_space<hbm>>
        %dma_wait3A_33 = tpu.memref_squeeze %dma_wait3A_32 : memref<1x632x128xf32, #tpu.memory_space<hbm>> -> memref<632x128xf32, #tpu.memory_space<hbm>>
        %dma_wait3A_34 = arith.constant 0 : i32
        %dma_wait3A_35 = tpu.memref_slice %arg6[%mul3A_17, %dma_wait3A_34] : memref<10016x128xf32, #tpu.memory_space<vmem_shared>> -> memref<632x128xf32, #tpu.memory_space<vmem_shared>>
        tpu.wait_dma2 semaphore(%run_scoped3A : memref<!tpu.dma_semaphore, #tpu.memory_space<semaphore_mem>>) src(%dma_wait3A_35 : memref<632x128xf32, #tpu.memory_space<vmem_shared>>) dst(%dma_wait3A_33 : memref<632x128xf32, #tpu.memory_space<hbm>>)
        tpu.yield
      }) : () -> ()
    } else {
    }
    %eq3A_23 = arith.constant 15 : i32
    %eq3A_24 = arith.cmpi eq, %arg1, %eq3A_23 : i32
    %convert_element_type3A_25 = arith.extui %eq3A_24 : i1 to i32
    %cond3A_26 = arith.constant 0 : i32
    %cond3A_27 = arith.cmpi ne, %convert_element_type3A_25, %cond3A_26 : i32
    scf.if %cond3A_27 {
      "tpu.region"() ({
        %run_scoped3A = tpu.sem_alloc : memref<!tpu.dma_semaphore, #tpu.memory_space<semaphore_mem>>
        %dma_start3A = arith.constant 0 : i32
        %dma_start3A_28 = tpu.memref_slice %arg5[%arg0, %mul3A_17, %dma_start3A] : memref<2x10000x128xf32, #tpu.memory_space<hbm>> -> memref<1x520x128xf32, #tpu.memory_space<hbm>>
        %dma_start3A_29 = tpu.memref_squeeze %dma_start3A_28 : memref<1x520x128xf32, #tpu.memory_space<hbm>> -> memref<520x128xf32, #tpu.memory_space<hbm>>
        %dma_start3A_30 = arith.constant 0 : i32
        %dma_start3A_31 = tpu.memref_slice %arg6[%mul3A_17, %dma_start3A_30] : memref<10016x128xf32, #tpu.memory_space<vmem_shared>> -> memref<520x128xf32, #tpu.memory_space<vmem_shared>>
        tpu.enqueue_dma source(%dma_start3A_31 : memref<520x128xf32, #tpu.memory_space<vmem_shared>>) target(%dma_start3A_29 : memref<520x128xf32, #tpu.memory_space<hbm>>) target_semaphore(%run_scoped3A : memref<!tpu.dma_semaphore, #tpu.memory_space<semaphore_mem>>)
        %dma_wait3A = arith.constant 0 : i32
        %dma_wait3A_32 = tpu.memref_slice %arg5[%arg0, %mul3A_17, %dma_wait3A] : memref<2x10000x128xf32, #tpu.memory_space<hbm>> -> memref<1x520x128xf32, #tpu.memory_space<hbm>>
        %dma_wait3A_33 = tpu.memref_squeeze %dma_wait3A_32 : memref<1x520x128xf32, #tpu.memory_space<hbm>> -> memref<520x128xf32, #tpu.memory_space<hbm>>
        %dma_wait3A_34 = arith.constant 0 : i32
        %dma_wait3A_35 = tpu.memref_slice %arg6[%mul3A_17, %dma_wait3A_34] : memref<10016x128xf32, #tpu.memory_space<vmem_shared>> -> memref<520x128xf32, #tpu.memory_space<vmem_shared>>
        tpu.wait_dma2 semaphore(%run_scoped3A : memref<!tpu.dma_semaphore, #tpu.memory_space<semaphore_mem>>) src(%dma_wait3A_35 : memref<520x128xf32, #tpu.memory_space<vmem_shared>>) dst(%dma_wait3A_33 : memref<520x128xf32, #tpu.memory_space<hbm>>)
        tpu.yield
      }) : () -> ()
    } else {
    }
    return
  }
}

#map = affine_map<(d0, d1) -> (0, 0, 0)>
module attributes {stable_mosaic.version = 14 : i64} {
  func.func @_deg_kernel(%arg0: i32, %arg1: i32, %arg2: memref<32x40x128xi32, #tpu.memory_space<hbm>>, %arg3: memref<2x10000x16xf32, #tpu.memory_space<hbm>>, %arg4: memref<10016x16xf32, #tpu.memory_space<vmem_shared>>, %arg5: memref<626x16xf32, #tpu.memory_space<vmem>>, %arg6: memref<128x16xf32, #tpu.memory_space<vmem>>, %arg7: memref<40x128xi32, #tpu.memory_space<vmem>>) attributes {dimension_semantics = [#tpu.dimension_semantics<core_parallel>, #tpu.dimension_semantics<subcore_parallel>], iteration_bounds = array<i64: 2, 16>, scalar_prefetch = 0 : i64, scratch_operands = 4 : i64, tpu.core_type = #tpu.core_type<sc_vector_subcore>, window_params = [{transform_indices = #map}, {transform_indices = #map}]} {
    %mul3A = arith.constant 16 : i32
    %mul3A_0 = arith.muli %arg0, %mul3A : i32
    %add3A = arith.addi %mul3A_0, %arg1 : i32
    %scan3A = arith.constant 0 : i32
    %scan3A_1 = arith.constant 0 : i32
    %scan3A_2 = arith.constant 626 : i32
    %scan3A_3 = arith.addi %scan3A_1, %scan3A_2 : i32
    %scan3A_4 = arith.constant 1 : i32
    %scan3A_5 = scf.for %scan3A_32 = %scan3A_1 to %scan3A_3 step %scan3A_4 iter_args(%scan3A_33 = %scan3A) -> (i32)  : i32 {
      %broadcast_in_dim3A = arith.constant 0.000000e+00 : f32
      %broadcast_in_dim3A_34 = vector.broadcast %broadcast_in_dim3A : f32 to vector<16xf32>
      %swap3A = arith.index_cast %scan3A_32 : i32 to index
      %swap3A_35 = arith.constant 0 : index
      %swap3A_36 = tpu.vector_load %arg5[%swap3A, %swap3A_35] {strides = array<i32>} : memref<626x16xf32, #tpu.memory_space<vmem>>, vector<1x16xf32>,
      %swap3A_37 = vector.shape_cast %swap3A_36 : vector<1x16xf32> to vector<16xf32>
      %swap3A_38 = vector.shape_cast %broadcast_in_dim3A_34 : vector<16xf32> to vector<1x16xf32>
      tpu.vector_store %arg5[%swap3A, %swap3A_35], %swap3A_38 {strides = array<i32>} : memref<626x16xf32, #tpu.memory_space<vmem>>, vector<1x16xf32>,
      %scan3A_39 = arith.constant 0 : i32
      scf.yield %scan3A_39 : i32
    }
    %scan3A_6 = arith.constant 626 : i32
    %scan3A_7 = arith.constant 0 : i32
    %scan3A_8 = arith.constant 0 : i32
    %scan3A_9 = arith.constant 128 : i32
    %scan3A_10 = arith.addi %scan3A_8, %scan3A_9 : i32
    %scan3A_11 = arith.constant 1 : i32
    %scan3A_12 = scf.for %scan3A_32 = %scan3A_8 to %scan3A_10 step %scan3A_11 iter_args(%scan3A_33 = %scan3A_7) -> (i32)  : i32 {
      %broadcast_in_dim3A = arith.constant 1.000000e+00 : f32
      %broadcast_in_dim3A_34 = vector.broadcast %broadcast_in_dim3A : f32 to vector<16xf32>
      %swap3A = arith.index_cast %scan3A_32 : i32 to index
      %swap3A_35 = arith.constant 0 : index
      %swap3A_36 = tpu.vector_load %arg6[%swap3A, %swap3A_35] {strides = array<i32>} : memref<128x16xf32, #tpu.memory_space<vmem>>, vector<1x16xf32>,
      %swap3A_37 = vector.shape_cast %swap3A_36 : vector<1x16xf32> to vector<16xf32>
      %swap3A_38 = vector.shape_cast %broadcast_in_dim3A_34 : vector<16xf32> to vector<1x16xf32>
      tpu.vector_store %arg6[%swap3A, %swap3A_35], %swap3A_38 {strides = array<i32>} : memref<128x16xf32, #tpu.memory_space<vmem>>, vector<1x16xf32>,
      %scan3A_39 = arith.constant 0 : i32
      scf.yield %scan3A_39 : i32
    }
    %scan3A_13 = arith.constant 128 : i32
    "tpu.region"() ({
      %run_scoped3A = tpu.sem_alloc : memref<!tpu.dma_semaphore, #tpu.memory_space<semaphore_mem>>
      %dma_start3A = arith.constant 0 : i32
      %dma_start3A_32 = arith.constant 0 : i32
      %dma_start3A_33 = tpu.memref_slice %arg2[%add3A, %dma_start3A, %dma_start3A_32] : memref<32x40x128xi32, #tpu.memory_space<hbm>> -> memref<1x40x128xi32, #tpu.memory_space<hbm>>
      %dma_start3A_34 = tpu.memref_squeeze %dma_start3A_33 : memref<1x40x128xi32, #tpu.memory_space<hbm>> -> memref<40x128xi32, #tpu.memory_space<hbm>>
      %dma_start3A_35 = arith.constant 0 : i32
      %dma_start3A_36 = arith.constant 0 : i32
      %dma_start3A_37 = tpu.memref_slice %arg2[%add3A, %dma_start3A_35, %dma_start3A_36] : memref<32x40x128xi32, #tpu.memory_space<hbm>> -> memref<1x40x128xi32, #tpu.memory_space<hbm>>
      %dma_start3A_38 = tpu.memref_squeeze %dma_start3A_37 : memref<1x40x128xi32, #tpu.memory_space<hbm>> -> memref<40x128xi32, #tpu.memory_space<hbm>>
      tpu.enqueue_dma source(%dma_start3A_38 : memref<40x128xi32, #tpu.memory_space<hbm>>) target(%arg7 : memref<40x128xi32, #tpu.memory_space<vmem>>) target_semaphore(%run_scoped3A : memref<!tpu.dma_semaphore, #tpu.memory_space<semaphore_mem>>)
      %dma_wait3A = arith.constant 0 : i32
      %dma_wait3A_39 = arith.constant 0 : i32
      %dma_wait3A_40 = tpu.memref_slice %arg2[%add3A, %dma_wait3A, %dma_wait3A_39] : memref<32x40x128xi32, #tpu.memory_space<hbm>> -> memref<1x40x128xi32, #tpu.memory_space<hbm>>
      %dma_wait3A_41 = tpu.memref_squeeze %dma_wait3A_40 : memref<1x40x128xi32, #tpu.memory_space<hbm>> -> memref<40x128xi32, #tpu.memory_space<hbm>>
      %dma_wait3A_42 = arith.constant 0 : i32
      %dma_wait3A_43 = arith.constant 0 : i32
      %dma_wait3A_44 = tpu.memref_slice %arg2[%add3A, %dma_wait3A_42, %dma_wait3A_43] : memref<32x40x128xi32, #tpu.memory_space<hbm>> -> memref<1x40x128xi32, #tpu.memory_space<hbm>>
      %dma_wait3A_45 = tpu.memref_squeeze %dma_wait3A_44 : memref<1x40x128xi32, #tpu.memory_space<hbm>> -> memref<40x128xi32, #tpu.memory_space<hbm>>
      tpu.wait_dma2 semaphore(%run_scoped3A : memref<!tpu.dma_semaphore, #tpu.memory_space<semaphore_mem>>) src(%dma_wait3A_45 : memref<40x128xi32, #tpu.memory_space<hbm>>) dst(%arg7 : memref<40x128xi32, #tpu.memory_space<vmem>>)
      tpu.yield
    }) : () -> ()
    %mul3A_14 = arith.constant 626 : i32
    %mul3A_15 = arith.muli %arg1, %mul3A_14 : i32
    "tpu.region"() ({
      %run_scoped3A = tpu.sem_alloc : memref<!tpu.dma_semaphore, #tpu.memory_space<semaphore_mem>>
      %dma_start3A = arith.constant 0 : i32
      %dma_start3A_32 = tpu.memref_slice %arg4[%mul3A_15, %dma_start3A] : memref<10016x16xf32, #tpu.memory_space<vmem_shared>> -> memref<626x16xf32, #tpu.memory_space<vmem_shared>>
      %dma_start3A_33 = arith.constant 0 : i32
      %dma_start3A_34 = tpu.memref_slice %arg4[%mul3A_15, %dma_start3A_33] : memref<10016x16xf32, #tpu.memory_space<vmem_shared>> -> memref<626x16xf32, #tpu.memory_space<vmem_shared>>
      tpu.enqueue_dma source(%arg5 : memref<626x16xf32, #tpu.memory_space<vmem>>) target(%dma_start3A_34 : memref<626x16xf32, #tpu.memory_space<vmem_shared>>) target_semaphore(%run_scoped3A : memref<!tpu.dma_semaphore, #tpu.memory_space<semaphore_mem>>)
      %dma_wait3A = arith.constant 0 : i32
      %dma_wait3A_35 = tpu.memref_slice %arg4[%mul3A_15, %dma_wait3A] : memref<10016x16xf32, #tpu.memory_space<vmem_shared>> -> memref<626x16xf32, #tpu.memory_space<vmem_shared>>
      %dma_wait3A_36 = arith.constant 0 : i32
      %dma_wait3A_37 = tpu.memref_slice %arg4[%mul3A_15, %dma_wait3A_36] : memref<10016x16xf32, #tpu.memory_space<vmem_shared>> -> memref<626x16xf32, #tpu.memory_space<vmem_shared>>
      tpu.wait_dma2 semaphore(%run_scoped3A : memref<!tpu.dma_semaphore, #tpu.memory_space<semaphore_mem>>) src(%arg5 : memref<626x16xf32, #tpu.memory_space<vmem>>) dst(%dma_wait3A_37 : memref<626x16xf32, #tpu.memory_space<vmem_shared>>)
      tpu.yield
    }) : () -> ()
    %barrier3A = arith.constant 0 : index
    tpu.barrier barrier_id(%barrier3A)
    %scan3A_16 = arith.constant 0 : i32
    %scan3A_17 = arith.constant 0 : i32
    %scan3A_18 = arith.constant 40 : i32
    %scan3A_19 = arith.addi %scan3A_17, %scan3A_18 : i32
    %scan3A_20 = arith.constant 1 : i32
    %scan3A_21 = scf.for %scan3A_32 = %scan3A_17 to %scan3A_19 step %scan3A_20 iter_args(%scan3A_33 = %scan3A_16) -> (i32)  : i32 {
      "tpu.region"() ({
        %run_scoped3A = tpu.sem_alloc : memref<!tpu.dma_semaphore, #tpu.memory_space<semaphore_mem>>
        %dma_start3A = arith.constant 0 : i32
        %dma_start3A_35 = tpu.memref_slice %arg7[%scan3A_32, %dma_start3A] : memref<40x128xi32, #tpu.memory_space<vmem>> -> memref<1x128xi32, #tpu.memory_space<vmem>>
        %dma_start3A_36 = tpu.memref_squeeze %dma_start3A_35 : memref<1x128xi32, #tpu.memory_space<vmem>> -> memref<128xi32, #tpu.memory_space<vmem>>
        %dma_start3A_37 = arith.constant 0 : i32
        %dma_start3A_38 = arith.constant 0 : i32
        %dma_start3A_39 = tpu.memref_slice %arg4[%dma_start3A_37, %dma_start3A_38] : memref<10016x16xf32, #tpu.memory_space<vmem_shared>> -> memref<10016x16xf32, #tpu.memory_space<vmem_shared>>
        tpu.enqueue_indirect_dma source(%arg6 : memref<128x16xf32, #tpu.memory_space<vmem>>) target(%dma_start3A_39 : memref<10016x16xf32, #tpu.memory_space<vmem_shared>>) offsets(%dma_start3A_36 : memref<128xi32, #tpu.memory_space<vmem>>) semaphore(%run_scoped3A : memref<!tpu.dma_semaphore, #tpu.memory_space<semaphore_mem>>) {add = true}
        %dma_wait3A = arith.constant 0 : i32
        %dma_wait3A_40 = tpu.memref_slice %arg7[%scan3A_32, %dma_wait3A] : memref<40x128xi32, #tpu.memory_space<vmem>> -> memref<1x128xi32, #tpu.memory_space<vmem>>
        %dma_wait3A_41 = tpu.memref_squeeze %dma_wait3A_40 : memref<1x128xi32, #tpu.memory_space<vmem>> -> memref<128xi32, #tpu.memory_space<vmem>>
        %dma_wait3A_42 = arith.constant 0 : i32
        %dma_wait3A_43 = arith.constant 0 : i32
        %dma_wait3A_44 = tpu.memref_slice %arg4[%dma_wait3A_42, %dma_wait3A_43] : memref<10016x16xf32, #tpu.memory_space<vmem_shared>> -> memref<10016x16xf32, #tpu.memory_space<vmem_shared>>
        tpu.wait_indirect_dma semaphore(%run_scoped3A : memref<!tpu.dma_semaphore, #tpu.memory_space<semaphore_mem>>) src(%arg6 : memref<128x16xf32, #tpu.memory_space<vmem>>) dst(%dma_wait3A_44 : memref<10016x16xf32, #tpu.memory_space<vmem_shared>>)
        tpu.yield
      }) : () -> ()
      %scan3A_34 = arith.constant 0 : i32
      scf.yield %scan3A_34 : i32
    }
    %scan3A_22 = arith.constant 40 : i32
    %barrier3A_23 = arith.constant 0 : index
    tpu.barrier barrier_id(%barrier3A_23)
    %mul3A_24 = arith.constant 632 : i32
    %mul3A_25 = arith.muli %arg1, %mul3A_24 : i32
    %lt3A = arith.constant 15 : i32
    %lt3A_26 = arith.cmpi slt, %arg1, %lt3A : i32
    %convert_element_type3A = arith.extui %lt3A_26 : i1 to i32
    %cond3A = arith.constant 0 : i32
    %cond3A_27 = arith.cmpi ne, %convert_element_type3A, %cond3A : i32
    scf.if %cond3A_27 {
      "tpu.region"() ({
        %run_scoped3A = tpu.sem_alloc : memref<!tpu.dma_semaphore, #tpu.memory_space<semaphore_mem>>
        %dma_start3A = arith.constant 0 : i32
        %dma_start3A_32 = tpu.memref_slice %arg3[%arg0, %mul3A_25, %dma_start3A] : memref<2x10000x16xf32, #tpu.memory_space<hbm>> -> memref<1x632x16xf32, #tpu.memory_space<hbm>>
        %dma_start3A_33 = tpu.memref_squeeze %dma_start3A_32 : memref<1x632x16xf32, #tpu.memory_space<hbm>> -> memref<632x16xf32, #tpu.memory_space<hbm>>
        %dma_start3A_34 = arith.constant 0 : i32
        %dma_start3A_35 = tpu.memref_slice %arg4[%mul3A_25, %dma_start3A_34] : memref<10016x16xf32, #tpu.memory_space<vmem_shared>> -> memref<632x16xf32, #tpu.memory_space<vmem_shared>>
        tpu.enqueue_dma source(%dma_start3A_35 : memref<632x16xf32, #tpu.memory_space<vmem_shared>>) target(%dma_start3A_33 : memref<632x16xf32, #tpu.memory_space<hbm>>) target_semaphore(%run_scoped3A : memref<!tpu.dma_semaphore, #tpu.memory_space<semaphore_mem>>)
        %dma_wait3A = arith.constant 0 : i32
        %dma_wait3A_36 = tpu.memref_slice %arg3[%arg0, %mul3A_25, %dma_wait3A] : memref<2x10000x16xf32, #tpu.memory_space<hbm>> -> memref<1x632x16xf32, #tpu.memory_space<hbm>>
        %dma_wait3A_37 = tpu.memref_squeeze %dma_wait3A_36 : memref<1x632x16xf32, #tpu.memory_space<hbm>> -> memref<632x16xf32, #tpu.memory_space<hbm>>
        %dma_wait3A_38 = arith.constant 0 : i32
        %dma_wait3A_39 = tpu.memref_slice %arg4[%mul3A_25, %dma_wait3A_38] : memref<10016x16xf32, #tpu.memory_space<vmem_shared>> -> memref<632x16xf32, #tpu.memory_space<vmem_shared>>
        tpu.wait_dma2 semaphore(%run_scoped3A : memref<!tpu.dma_semaphore, #tpu.memory_space<semaphore_mem>>) src(%dma_wait3A_39 : memref<632x16xf32, #tpu.memory_space<vmem_shared>>) dst(%dma_wait3A_37 : memref<632x16xf32, #tpu.memory_space<hbm>>)
        tpu.yield
      }) : () -> ()
    } else {
    }
    %eq3A = arith.constant 15 : i32
    %eq3A_28 = arith.cmpi eq, %arg1, %eq3A : i32
    %convert_element_type3A_29 = arith.extui %eq3A_28 : i1 to i32
    %cond3A_30 = arith.constant 0 : i32
    %cond3A_31 = arith.cmpi ne, %convert_element_type3A_29, %cond3A_30 : i32
    scf.if %cond3A_31 {
      "tpu.region"() ({
        %run_scoped3A = tpu.sem_alloc : memref<!tpu.dma_semaphore, #tpu.memory_space<semaphore_mem>>
        %dma_start3A = arith.constant 0 : i32
        %dma_start3A_32 = tpu.memref_slice %arg3[%arg0, %mul3A_25, %dma_start3A] : memref<2x10000x16xf32, #tpu.memory_space<hbm>> -> memref<1x520x16xf32, #tpu.memory_space<hbm>>
        %dma_start3A_33 = tpu.memref_squeeze %dma_start3A_32 : memref<1x520x16xf32, #tpu.memory_space<hbm>> -> memref<520x16xf32, #tpu.memory_space<hbm>>
        %dma_start3A_34 = arith.constant 0 : i32
        %dma_start3A_35 = tpu.memref_slice %arg4[%mul3A_25, %dma_start3A_34] : memref<10016x16xf32, #tpu.memory_space<vmem_shared>> -> memref<520x16xf32, #tpu.memory_space<vmem_shared>>
        tpu.enqueue_dma source(%dma_start3A_35 : memref<520x16xf32, #tpu.memory_space<vmem_shared>>) target(%dma_start3A_33 : memref<520x16xf32, #tpu.memory_space<hbm>>) target_semaphore(%run_scoped3A : memref<!tpu.dma_semaphore, #tpu.memory_space<semaphore_mem>>)
        %dma_wait3A = arith.constant 0 : i32
        %dma_wait3A_36 = tpu.memref_slice %arg3[%arg0, %mul3A_25, %dma_wait3A] : memref<2x10000x16xf32, #tpu.memory_space<hbm>> -> memref<1x520x16xf32, #tpu.memory_space<hbm>>
        %dma_wait3A_37 = tpu.memref_squeeze %dma_wait3A_36 : memref<1x520x16xf32, #tpu.memory_space<hbm>> -> memref<520x16xf32, #tpu.memory_space<hbm>>
        %dma_wait3A_38 = arith.constant 0 : i32
        %dma_wait3A_39 = tpu.memref_slice %arg4[%mul3A_25, %dma_wait3A_38] : memref<10016x16xf32, #tpu.memory_space<vmem_shared>> -> memref<520x16xf32, #tpu.memory_space<vmem_shared>>
        tpu.wait_dma2 semaphore(%run_scoped3A : memref<!tpu.dma_semaphore, #tpu.memory_space<semaphore_mem>>) src(%dma_wait3A_39 : memref<520x16xf32, #tpu.memory_space<vmem_shared>>) dst(%dma_wait3A_37 : memref<520x16xf32, #tpu.memory_space<hbm>>)
        tpu.yield
      }) : () -> ()
    } else {
    }
    return
  }
}

module attributes {stable_mosaic.version = 14 : i64} {
  func.func @_mm_body(%arg0: i32, %arg1: i32, %arg2: memref<2x1000x16xf32, #tpu.memory_space<vmem>>, %arg3: memref<1000x256xf32, #tpu.memory_space<vmem>>, %arg4: memref<256x128xf32, #tpu.memory_space<vmem>>, %arg5: memref<1x1000x128xf32, #tpu.memory_space<vmem>>) attributes {dimension_semantics = [#tpu.dimension_semantics<arbitrary>, #tpu.dimension_semantics<arbitrary>], iteration_bounds = array<i64: 10, 2>, scalar_prefetch = 0 : i64, scratch_operands = 0 : i64, tpu.core_type = #tpu.core_type<tc>, window_params = [{transform_indices = @transform_0, window_bounds = array<i64: 2, 1000, 16>}, {transform_indices = @transform_1, window_bounds = array<i64: 1000, 256>}, {transform_indices = @transform_2, window_bounds = array<i64: 256, 128>}, {transform_indices = @transform_3, window_bounds = array<i64: 1, 1000, 128>}]} {
    %get3A = arith.constant 0 : index
    %get3A_0 = arith.constant 0 : index
    %get3A_1 = arith.constant 0 : index
    %get3A_2 = vector.load %arg2[%get3A, %get3A_0, %get3A_1] : memref<2x1000x16xf32, #tpu.memory_space<vmem>>, vector<2x1000x16xf32>
    %slice3A = vector.extract_strided_slice %get3A_2 {offsets = [0, 0, 0], sizes = [1, 1000, 1], strides = [1, 1, 1]} : vector<2x1000x16xf32> to vector<1x1000x1xf32>
    %squeeze3A = vector.shape_cast %slice3A : vector<1x1000x1xf32> to vector<1000x1xf32>
    %slice3A_3 = vector.extract_strided_slice %get3A_2 {offsets = [1, 0, 0], sizes = [1, 1000, 1], strides = [1, 1, 1]} : vector<2x1000x16xf32> to vector<1x1000x1xf32>
    %squeeze3A_4 = vector.shape_cast %slice3A_3 : vector<1x1000x1xf32> to vector<1000x1xf32>
    %add3A = arith.addf %squeeze3A, %squeeze3A_4 : vector<1000x1xf32>
    %add3A_5 = arith.constant 1.000000e+00 : f32
    %add3A_6 = vector.broadcast %add3A_5 : f32 to vector<1000x1xf32>
    %add3A_7 = arith.addf %add3A, %add3A_6 : vector<1000x1xf32>
    %rsqrt3A = math.rsqrt %add3A_7 : vector<1000x1xf32>
    %get3A_8 = arith.constant 0 : index
    %get3A_9 = arith.constant 0 : index
    %get3A_10 = vector.load %arg3[%get3A_8, %get3A_9] : memref<1000x256xf32, #tpu.memory_space<vmem>>, vector<1000x256xf32>
    %get3A_11 = arith.constant 0 : index
    %get3A_12 = arith.constant 0 : index
    %get3A_13 = vector.load %arg4[%get3A_11, %get3A_12] : memref<256x128xf32, #tpu.memory_space<vmem>>, vector<256x128xf32>
    %dot_general3A = arith.constant dense<0.000000e+00> : vector<1000x128xf32>
    %dot_general3A_14 = tpu.matmul %get3A_10, %get3A_13, %dot_general3A {dimension_numbers = #tpu.dot_dimension_numbers<[1], [0], [0], [1], [0, 0, 1, 1], [], []>, transpose_lhs_hint = false} : vector<1000x256xf32>, vector<256x128xf32>, vector<1000x128xf32> -> vector<1000x128xf32>
    %mul3A = vector.broadcast %rsqrt3A : vector<1000x1xf32> to vector<1000x128xf32>
    %mul3A_15 = arith.mulf %dot_general3A_14, %mul3A : vector<1000x128xf32>
    %broadcast_in_dim3A = vector.shape_cast %mul3A_15 : vector<1000x128xf32> to vector<1x1000x128xf32>
    %swap3A = arith.constant 0 : index
    %swap3A_16 = arith.constant 0 : index
    %swap3A_17 = arith.constant 0 : index
    %swap3A_18 = vector.load %arg5[%swap3A, %swap3A_16, %swap3A_17] : memref<1x1000x128xf32, #tpu.memory_space<vmem>>, vector<1x1000x128xf32>
    tpu.vector_store %arg5[%swap3A, %swap3A_16, %swap3A_17], %broadcast_in_dim3A {strides = array<i32>} : memref<1x1000x128xf32, #tpu.memory_space<vmem>>, vector<1x1000x128xf32>,
    return
  }
  func.func @transform_0(%arg0: i32, %arg1: i32) -> (i32, i32, i32) {
    %c0_i32 = arith.constant 0 : i32
    %c0_i32_0 = arith.constant 0 : i32
    %c0_i32_1 = arith.constant 0 : i32
    return %c0_i32, %arg0, %c0_i32_0 : i32, i32, i32
  }
  func.func @transform_1(%arg0: i32, %arg1: i32) -> (i32, i32) {
    %c0_i32 = arith.constant 0 : i32
    %c0_i32_0 = arith.constant 0 : i32
    return %arg0, %c0_i32 : i32, i32
  }
  func.func @transform_2(%arg0: i32, %arg1: i32) -> (i32, i32) {
    %c0_i32 = arith.constant 0 : i32
    %c0_i32_0 = arith.constant 0 : i32
    return %c0_i32, %arg1 : i32, i32
  }
  func.func @transform_3(%arg0: i32, %arg1: i32) -> (i32, i32, i32) {
    %c0_i32 = arith.constant 0 : i32
    %c0_i32_0 = arith.constant 0 : i32
    return %arg1, %arg0, %c0_i32 : i32, i32, i32
  }
}

module attributes {stable_mosaic.version = 14 : i64} {
  func.func @_bn_body(%arg0: i32, %arg1: memref<2x1000x16xf32, #tpu.memory_space<vmem>>, %arg2: memref<2x1000x128xf32, #tpu.memory_space<vmem>>, %arg3: memref<10x2x128xf32, #tpu.memory_space<vmem>>, %arg4: memref<10x2x128xf32, #tpu.memory_space<vmem>>, %arg5: memref<2x128xf32, #tpu.memory_space<vmem>>, %arg6: memref<2x128xf32, #tpu.memory_space<vmem>>, %arg7: memref<2x128xf32, #tpu.memory_space<vmem>>, %arg8: memref<1000x256xf32, #tpu.memory_space<vmem>>) attributes {dimension_semantics = [#tpu.dimension_semantics<arbitrary>], iteration_bounds = array<i64: 10>, scalar_prefetch = 0 : i64, scratch_operands = 0 : i64, tpu.core_type = #tpu.core_type<tc>, window_params = [{transform_indices = @transform_0, window_bounds = array<i64: 2, 1000, 16>}, {transform_indices = @transform_1, window_bounds = array<i64: 2, 1000, 128>}, {pipeline_mode = #tpu.pipeline_mode<synchronous>, transform_indices = @transform_2, window_bounds = array<i64: 10, 2, 128>}, {pipeline_mode = #tpu.pipeline_mode<synchronous>, transform_indices = @transform_3, window_bounds = array<i64: 10, 2, 128>}, {pipeline_mode = #tpu.pipeline_mode<synchronous>, transform_indices = @transform_4, window_bounds = array<i64: 2, 128>}, {pipeline_mode = #tpu.pipeline_mode<synchronous>, transform_indices = @transform_5, window_bounds = array<i64: 2, 128>}, {pipeline_mode = #tpu.pipeline_mode<synchronous>, transform_indices = @transform_6, window_bounds = array<i64: 2, 128>}, {transform_indices = @transform_7, window_bounds = array<i64: 1000, 256>}]} {
    %get3A = arith.constant 0 : index
    %get3A_0 = arith.constant 0 : index
    %get3A_1 = arith.constant 0 : index
    %get3A_2 = vector.load %arg1[%get3A, %get3A_0, %get3A_1] : memref<2x1000x16xf32, #tpu.memory_space<vmem>>, vector<2x1000x16xf32>
    %slice3A = vector.extract_strided_slice %get3A_2 {offsets = [0, 0, 0], sizes = [1, 1000, 1], strides = [1, 1, 1]} : vector<2x1000x16xf32> to vector<1x1000x1xf32>
    %squeeze3A = vector.shape_cast %slice3A : vector<1x1000x1xf32> to vector<1000x1xf32>
    %slice3A_3 = vector.extract_strided_slice %get3A_2 {offsets = [1, 0, 0], sizes = [1, 1000, 1], strides = [1, 1, 1]} : vector<2x1000x16xf32> to vector<1x1000x1xf32>
    %squeeze3A_4 = vector.shape_cast %slice3A_3 : vector<1x1000x1xf32> to vector<1000x1xf32>
    %add3A = arith.addf %squeeze3A, %squeeze3A_4 : vector<1000x1xf32>
    %add3A_5 = arith.constant 1.000000e+00 : f32
    %add3A_6 = vector.broadcast %add3A_5 : f32 to vector<1000x1xf32>
    %add3A_7 = arith.addf %add3A, %add3A_6 : vector<1000x1xf32>
    %rsqrt3A = math.rsqrt %add3A_7 : vector<1000x1xf32>
    %get3A_8 = arith.constant 0 : index
    %get3A_9 = arith.constant 0 : index
    %get3A_10 = arith.constant 0 : index
    %get3A_11 = vector.load %arg2[%get3A_8, %get3A_9, %get3A_10] : memref<2x1000x128xf32, #tpu.memory_space<vmem>>, vector<2x1000x128xf32>
    %broadcast_in_dim3A = vector.shape_cast %rsqrt3A : vector<1000x1xf32> to vector<1x1000x1xf32>
    %mul3A = vector.broadcast %broadcast_in_dim3A : vector<1x1000x1xf32> to vector<2x1000x128xf32>
    %mul3A_12 = arith.mulf %get3A_11, %mul3A : vector<2x1000x128xf32>
    %get3A_13 = arith.constant 0 : index
    %get3A_14 = arith.constant 0 : index
    %get3A_15 = arith.constant 0 : index
    %get3A_16 = vector.load %arg3[%get3A_13, %get3A_14, %get3A_15] : memref<10x2x128xf32, #tpu.memory_space<vmem>>, vector<10x2x128xf32>
    %reduce_sum3A = arith.constant dense<0.000000e+00> : vector<2x128xf32>
    %reduce_sum3A_17 = vector.multi_reduction <add>, %get3A_16, %reduce_sum3A [0] : vector<10x2x128xf32> to vector<2x128xf32>
    %div3A = arith.constant 1.000000e+04 : f32
    %div3A_18 = vector.broadcast %div3A : f32 to vector<2x128xf32>
    %div3A_19 = arith.divf %reduce_sum3A_17, %div3A_18 : vector<2x128xf32>
    %get3A_20 = arith.constant 0 : index
    %get3A_21 = arith.constant 0 : index
    %get3A_22 = arith.constant 0 : index
    %get3A_23 = vector.load %arg4[%get3A_20, %get3A_21, %get3A_22] : memref<10x2x128xf32, #tpu.memory_space<vmem>>, vector<10x2x128xf32>
    %reduce_sum3A_24 = arith.constant dense<0.000000e+00> : vector<2x128xf32>
    %reduce_sum3A_25 = vector.multi_reduction <add>, %get3A_23, %reduce_sum3A_24 [0] : vector<10x2x128xf32> to vector<2x128xf32>
    %div3A_26 = arith.constant 1.000000e+04 : f32
    %div3A_27 = vector.broadcast %div3A_26 : f32 to vector<2x128xf32>
    %div3A_28 = arith.divf %reduce_sum3A_25, %div3A_27 : vector<2x128xf32>
    %mul3A_29 = arith.mulf %div3A_19, %div3A_19 : vector<2x128xf32>
    %sub3A = arith.subf %div3A_28, %mul3A_29 : vector<2x128xf32>
    %get3A_30 = arith.constant 0 : index
    %get3A_31 = arith.constant 0 : index
    %get3A_32 = vector.load %arg5[%get3A_30, %get3A_31] : memref<2x128xf32, #tpu.memory_space<vmem>>, vector<2x128xf32>
    %get3A_33 = arith.constant 0 : index
    %get3A_34 = arith.constant 0 : index
    %get3A_35 = vector.load %arg6[%get3A_33, %get3A_34] : memref<2x128xf32, #tpu.memory_space<vmem>>, vector<2x128xf32>
    %get3A_36 = arith.constant 0 : index
    %get3A_37 = arith.constant 0 : index
    %get3A_38 = vector.load %arg7[%get3A_36, %get3A_37] : memref<2x128xf32, #tpu.memory_space<vmem>>, vector<2x128xf32>
    %add3A_39 = arith.constant 9.99999974E-6 : f32
    %add3A_40 = vector.broadcast %add3A_39 : f32 to vector<2x128xf32>
    %add3A_41 = arith.addf %sub3A, %add3A_40 : vector<2x128xf32>
    %rsqrt3A_42 = math.rsqrt %add3A_41 : vector<2x128xf32>
    %mul3A_43 = arith.mulf %get3A_35, %rsqrt3A_42 : vector<2x128xf32>
    %broadcast_in_dim3A_44 = vector.shape_cast %get3A_32 : vector<2x128xf32> to vector<2x1x128xf32>
    %add3A_45 = vector.broadcast %broadcast_in_dim3A_44 : vector<2x1x128xf32> to vector<2x1000x128xf32>
    %add3A_46 = arith.addf %mul3A_12, %add3A_45 : vector<2x1000x128xf32>
    %add3A_47 = arith.addf %div3A_19, %get3A_32 : vector<2x128xf32>
    %broadcast_in_dim3A_48 = vector.shape_cast %add3A_47 : vector<2x128xf32> to vector<2x1x128xf32>
    %sub3A_49 = vector.broadcast %broadcast_in_dim3A_48 : vector<2x1x128xf32> to vector<2x1000x128xf32>
    %sub3A_50 = arith.subf %add3A_46, %sub3A_49 : vector<2x1000x128xf32>
    %broadcast_in_dim3A_51 = vector.shape_cast %mul3A_43 : vector<2x128xf32> to vector<2x1x128xf32>
    %mul3A_52 = vector.broadcast %broadcast_in_dim3A_51 : vector<2x1x128xf32> to vector<2x1000x128xf32>
    %mul3A_53 = arith.mulf %sub3A_50, %mul3A_52 : vector<2x1000x128xf32>
    %broadcast_in_dim3A_54 = vector.shape_cast %get3A_38 : vector<2x128xf32> to vector<2x1x128xf32>
    %add3A_55 = vector.broadcast %broadcast_in_dim3A_54 : vector<2x1x128xf32> to vector<2x1000x128xf32>
    %add3A_56 = arith.addf %mul3A_53, %add3A_55 : vector<2x1000x128xf32>
    %max3A = arith.constant 0.000000e+00 : f32
    %max3A_57 = vector.broadcast %max3A : f32 to vector<2x1000x128xf32>
    %max3A_58 = arith.maximumf %add3A_56, %max3A_57 : vector<2x1000x128xf32>
    %slice3A_59 = vector.extract_strided_slice %max3A_58 {offsets = [0, 0, 0], sizes = [1, 1000, 128], strides = [1, 1, 1]} : vector<2x1000x128xf32> to vector<1x1000x128xf32>
    %squeeze3A_60 = vector.shape_cast %slice3A_59 : vector<1x1000x128xf32> to vector<1000x128xf32>
    %slice3A_61 = vector.extract_strided_slice %max3A_58 {offsets = [1, 0, 0], sizes = [1, 1000, 128], strides = [1, 1, 1]} : vector<2x1000x128xf32> to vector<1x1000x128xf32>
    %squeeze3A_62 = vector.shape_cast %slice3A_61 : vector<1x1000x128xf32> to vector<1000x128xf32>
    %concatenate3A = tpu.concatenate %squeeze3A_60, %squeeze3A_62 in 1 : vector<1000x128xf32>, vector<1000x128xf32> -> vector<1000x256xf32>
    %swap3A = arith.constant 0 : index
    %swap3A_63 = arith.constant 0 : index
    %swap3A_64 = vector.load %arg8[%swap3A, %swap3A_63] : memref<1000x256xf32, #tpu.memory_space<vmem>>, vector<1000x256xf32>
    tpu.vector_store %arg8[%swap3A, %swap3A_63], %concatenate3A {strides = array<i32>} : memref<1000x256xf32, #tpu.memory_space<vmem>>, vector<1000x256xf32>,
    return
  }
  func.func @transform_0(%arg0: i32) -> (i32, i32, i32) {
    %c0_i32 = arith.constant 0 : i32
    %c0_i32_0 = arith.constant 0 : i32
    %c0_i32_1 = arith.constant 0 : i32
    return %c0_i32, %arg0, %c0_i32_0 : i32, i32, i32
  }
  func.func @transform_1(%arg0: i32) -> (i32, i32, i32) {
    %c0_i32 = arith.constant 0 : i32
    %c0_i32_0 = arith.constant 0 : i32
    %c0_i32_1 = arith.constant 0 : i32
    return %c0_i32, %arg0, %c0_i32_0 : i32, i32, i32
  }
  func.func @transform_2(%arg0: i32) -> (i32, i32, i32) {
    %c0_i32 = arith.constant 0 : i32
    %c0_i32_0 = arith.constant 0 : i32
    %c0_i32_1 = arith.constant 0 : i32
    %c0_i32_2 = arith.constant 0 : i32
    return %c0_i32, %c0_i32_0, %c0_i32_1 : i32, i32, i32
  }
  func.func @transform_3(%arg0: i32) -> (i32, i32, i32) {
    %c0_i32 = arith.constant 0 : i32
    %c0_i32_0 = arith.constant 0 : i32
    %c0_i32_1 = arith.constant 0 : i32
    %c0_i32_2 = arith.constant 0 : i32
    return %c0_i32, %c0_i32_0, %c0_i32_1 : i32, i32, i32
  }
  func.func @transform_4(%arg0: i32) -> (i32, i32) {
    %c0_i32 = arith.constant 0 : i32
    %c0_i32_0 = arith.constant 0 : i32
    %c0_i32_1 = arith.constant 0 : i32
    return %c0_i32, %c0_i32_0 : i32, i32
  }
  func.func @transform_5(%arg0: i32) -> (i32, i32) {
    %c0_i32 = arith.constant 0 : i32
    %c0_i32_0 = arith.constant 0 : i32
    %c0_i32_1 = arith.constant 0 : i32
    return %c0_i32, %c0_i32_0 : i32, i32
  }
  func.func @transform_6(%arg0: i32) -> (i32, i32) {
    %c0_i32 = arith.constant 0 : i32
    %c0_i32_0 = arith.constant 0 : i32
    %c0_i32_1 = arith.constant 0 : i32
    return %c0_i32, %c0_i32_0 : i32, i32
  }
  func.func @transform_7(%arg0: i32) -> (i32, i32) {
    %c0_i32 = arith.constant 0 : i32
    %c0_i32_0 = arith.constant 0 : i32
    return %arg0, %c0_i32 : i32, i32
  }
}

module attributes {stable_mosaic.version = 14 : i64} {
  func.func @_stats_body(%arg0: i32, %arg1: memref<2x1000x16xf32, #tpu.memory_space<vmem>>, %arg2: memref<2x1000x128xf32, #tpu.memory_space<vmem>>, %arg3: memref<1x2x128xf32, #tpu.memory_space<vmem>>, %arg4: memref<1x2x128xf32, #tpu.memory_space<vmem>>) attributes {dimension_semantics = [#tpu.dimension_semantics<arbitrary>], iteration_bounds = array<i64: 10>, scalar_prefetch = 0 : i64, scratch_operands = 0 : i64, tpu.core_type = #tpu.core_type<tc>, window_params = [{transform_indices = @transform_0, window_bounds = array<i64: 2, 1000, 16>}, {transform_indices = @transform_1, window_bounds = array<i64: 2, 1000, 128>}, {transform_indices = @transform_2, window_bounds = array<i64: 1, 2, 128>}, {transform_indices = @transform_3, window_bounds = array<i64: 1, 2, 128>}]} {
    %get3A = arith.constant 0 : index
    %get3A_0 = arith.constant 0 : index
    %get3A_1 = arith.constant 0 : index
    %get3A_2 = vector.load %arg1[%get3A, %get3A_0, %get3A_1] : memref<2x1000x16xf32, #tpu.memory_space<vmem>>, vector<2x1000x16xf32>
    %slice3A = vector.extract_strided_slice %get3A_2 {offsets = [0, 0, 0], sizes = [1, 1000, 1], strides = [1, 1, 1]} : vector<2x1000x16xf32> to vector<1x1000x1xf32>
    %squeeze3A = vector.shape_cast %slice3A : vector<1x1000x1xf32> to vector<1000x1xf32>
    %slice3A_3 = vector.extract_strided_slice %get3A_2 {offsets = [1, 0, 0], sizes = [1, 1000, 1], strides = [1, 1, 1]} : vector<2x1000x16xf32> to vector<1x1000x1xf32>
    %squeeze3A_4 = vector.shape_cast %slice3A_3 : vector<1x1000x1xf32> to vector<1000x1xf32>
    %add3A = arith.addf %squeeze3A, %squeeze3A_4 : vector<1000x1xf32>
    %add3A_5 = arith.constant 1.000000e+00 : f32
    %add3A_6 = vector.broadcast %add3A_5 : f32 to vector<1000x1xf32>
    %add3A_7 = arith.addf %add3A, %add3A_6 : vector<1000x1xf32>
    %rsqrt3A = math.rsqrt %add3A_7 : vector<1000x1xf32>
    %get3A_8 = arith.constant 0 : index
    %get3A_9 = arith.constant 0 : index
    %get3A_10 = arith.constant 0 : index
    %get3A_11 = vector.load %arg2[%get3A_8, %get3A_9, %get3A_10] : memref<2x1000x128xf32, #tpu.memory_space<vmem>>, vector<2x1000x128xf32>
    %broadcast_in_dim3A = vector.shape_cast %rsqrt3A : vector<1000x1xf32> to vector<1x1000x1xf32>
    %mul3A = vector.broadcast %broadcast_in_dim3A : vector<1x1000x1xf32> to vector<2x1000x128xf32>
    %mul3A_12 = arith.mulf %get3A_11, %mul3A : vector<2x1000x128xf32>
    %reduce_sum3A = arith.constant dense<0.000000e+00> : vector<2x128xf32>
    %reduce_sum3A_13 = vector.multi_reduction <add>, %mul3A_12, %reduce_sum3A [1] : vector<2x1000x128xf32> to vector<2x128xf32>
    %broadcast_in_dim3A_14 = vector.shape_cast %reduce_sum3A_13 : vector<2x128xf32> to vector<1x2x128xf32>
    %swap3A = arith.constant 0 : index
    %swap3A_15 = arith.constant 0 : index
    %swap3A_16 = arith.constant 0 : index
    %swap3A_17 = vector.load %arg3[%swap3A, %swap3A_15, %swap3A_16] : memref<1x2x128xf32, #tpu.memory_space<vmem>>, vector<1x2x128xf32>
    tpu.vector_store %arg3[%swap3A, %swap3A_15, %swap3A_16], %broadcast_in_dim3A_14 {strides = array<i32>} : memref<1x2x128xf32, #tpu.memory_space<vmem>>, vector<1x2x128xf32>,
    %mul3A_18 = arith.mulf %mul3A_12, %mul3A_12 : vector<2x1000x128xf32>
    %reduce_sum3A_19 = arith.constant dense<0.000000e+00> : vector<2x128xf32>
    %reduce_sum3A_20 = vector.multi_reduction <add>, %mul3A_18, %reduce_sum3A_19 [1] : vector<2x1000x128xf32> to vector<2x128xf32>
    %broadcast_in_dim3A_21 = vector.shape_cast %reduce_sum3A_20 : vector<2x128xf32> to vector<1x2x128xf32>
    %swap3A_22 = arith.constant 0 : index
    %swap3A_23 = arith.constant 0 : index
    %swap3A_24 = arith.constant 0 : index
    %swap3A_25 = vector.load %arg4[%swap3A_22, %swap3A_23, %swap3A_24] : memref<1x2x128xf32, #tpu.memory_space<vmem>>, vector<1x2x128xf32>
    tpu.vector_store %arg4[%swap3A_22, %swap3A_23, %swap3A_24], %broadcast_in_dim3A_21 {strides = array<i32>} : memref<1x2x128xf32, #tpu.memory_space<vmem>>, vector<1x2x128xf32>,
    return
  }
  func.func @transform_0(%arg0: i32) -> (i32, i32, i32) {
    %c0_i32 = arith.constant 0 : i32
    %c0_i32_0 = arith.constant 0 : i32
    %c0_i32_1 = arith.constant 0 : i32
    return %c0_i32, %arg0, %c0_i32_0 : i32, i32, i32
  }
  func.func @transform_1(%arg0: i32) -> (i32, i32, i32) {
    %c0_i32 = arith.constant 0 : i32
    %c0_i32_0 = arith.constant 0 : i32
    %c0_i32_1 = arith.constant 0 : i32
    return %c0_i32, %arg0, %c0_i32_0 : i32, i32, i32
  }
  func.func @transform_2(%arg0: i32) -> (i32, i32, i32) {
    %c0_i32 = arith.constant 0 : i32
    %c0_i32_0 = arith.constant 0 : i32
    %c0_i32_1 = arith.constant 0 : i32
    return %arg0, %c0_i32, %c0_i32_0 : i32, i32, i32
  }
  func.func @transform_3(%arg0: i32) -> (i32, i32, i32) {
    %c0_i32 = arith.constant 0 : i32
    %c0_i32_0 = arith.constant 0 : i32
    %c0_i32_1 = arith.constant 0 : i32
    return %arg0, %c0_i32, %c0_i32_0 : i32, i32, i32
  }
}

</mosaic_0001>

<sc_bundles>
// kernel: kernel.10.cloned.1.call-start
scs
__scs_entry_jumppad:
0x0: {  	(pc) =	sbr.rel $0x88, $3  }
0x1: {  	(tag) =	ssettag $0x0;
	lr =	simm.s32 $0x1  }
0x2: {  	[smem:$0x3F9B] =	sst lr;
	_ =	strace $0xD0000000  }
0x3: {  	_ = 	snop  }
0x4: {  	_ = 	snop  }
0x5: {  	_ = 	snop  }
0x6: {  	_ = 	snop  }
0x7: {  	_ = 	snop  }
__scs_overlays_trampoline_lowered:
0x8: {  	[smem:$0x3FAA] =	sst s0  }
0x9: {  	[smem:$0x3FAB] =	sst s1  }
0xa: {  	[smem:$0x3FAC] =	sst s2  }
0xb: {  	[smem:$0x3FAD] =	sst s3  }
0xc: {  	[smem:$0x3FAE] =	sst s4  }
0xd: {  	[smem:$0x3FAF] =	sst s5  }
0xe: {  	[smem:$0x3FB0] =	sst s6  }
0xf: {  	[smem:$0x3FB1] =	sst s7  }
0x10: {  	[smem:$0x3FB2] =	sst s8  }
0x11: {  	[smem:$0x3FB3] =	sst s9;
	s0 =	simm.s32 @!p0 $0x0  }
0x12: {  	s1 =	sld [smem:$0x3F99];
	s0 =	simm.s32 @p0 $0x1  }
0x13: {  	[smem:$0x3FB4] =	sst s0;
	s0 =	simm.s32 @!p1 $0x0  }
0x14: {  	s2 =	sld [smem:$0x3F98];
	s0 =	simm.s32 @p1 $0x1  }
0x15: {  	[smem:$0x3FB5] =	sst s0;
	s0 =	simm.s32 @!p2 $0x0  }
0x16: {  	s3 =	sld [smem:$0x3FDB];
	s0 =	simm.s32 @p2 $0x1  }
0x17: {  	s4 =	simm.s32 $0x1BF5;
	[smem:$0x3FB7] =	sst s0  }
0x18: {  	s0 =	sld [smem:$0x3F9A];
	_ =	swait.ge [sflag:s4], $0x0  }
0x19: {  	s7 =	sld [smem:$0x3F9B]  }
0x1a: {  	s8 =	sadd.s32 $0xFFFFE003, lr  }
0x1b: {  	s9 =	sadd.s32 $0xFFFFFEF7, lr;
	s5 =	simm.s32 $0xFFFFFFFF;
	p2 =	slt.u32 s8, $0xFFFFF086  }
0x1c: {  	p1 =	slt.u32 s9, $0xF7A;
	s5 =	simm.s32 @!p2 $0x0  }
0x1d: {  	s5 =	simm.s32 @p1 $0x1;
	p0 =	seq.s32 s7, s2  }
0x1e: {  	s7 =	smul.u32 @!p0 $0xF7A, s2;
	p2 =	seq.s32 @!p0 s5, $0x0  }
0x1f: {  	s9 =	smul.u32 $0xF7A, s1;
	s8 =	simm.s32 @!p0 $0x1BF5;
	p2 =	por !p2, p0  }
0x20: {  	[sflag:s8] =	ssyncset.s32 @!p0 $0xFFFFF086;
	s6 =	sadd.s32 @!p0 s3, s7;
	s7 =	simm.s32 @!p0 $0x108  }
0x21: {  	s3 =	sadd.s32 s3, s9;
	s6 =	sadd.s32 @!p0 $0x88, s6;
	s7 =	simm.s32 @p2 $0x1082  }
0x22: {  	[simem:s7], [sflag:s8] =	dma.local @!p0 [hbm:s6], $0xF7A  }
0x23: {  	s9 =	sor.u32 $0xD0000000, s2;
	s6 =	simm.s32 $0x108;
	_ =	swait.ge @!p0 [sflag:s8], $0x0  }
0x24: {  	s3 =	sadd.s32 $0x88, s3;
	s6 =	simm.s32 @!p1 $0x1082;
	[sflag:s4] =	ssyncset.s32 $0xFFFFF086  }
0x25: {  	[simem:s6], [sflag:s4] =	dma.local [hbm:s3], $0xF7A  }
0x26: {  	[smem:$0x3F9B] =	sst s1;
	(tag) =	ssettag s2;
	_ =	strace s9  }
0x27: {  	s1 =	sld [smem:$0x3FAB]  }
0x28: {  	s2 =	sld [smem:$0x3FAC]  }
0x29: {  	s4 =	sld [smem:$0x3FAE]  }
0x2a: {  	p0 =	seq.s32 s5, $0x0;
	s5 =	sld [smem:$0x3FAF]  }
0x2b: {  	s6 =	sld [smem:$0x3FB0]  }
0x2c: {  	s7 =	sld [smem:$0x3FB1]  }
0x2d: {  	s3 =	simm.s32 $0x108;
	s8 =	sld [smem:$0x3FB2]  }
0x2e: {  	s3 =	simm.s32 @!p0 $0x1082;
	s9 =	sld [smem:$0x3FB3]  }
0x2f: {  	lr =	sadd.s32 s0, s3;
	s0 =	sld [smem:$0x3FAA]  }
0x30: {  	s3 =	sld [smem:$0x3FAD]  }
0x31: {  	[smem:$0x3FB6] =	sst s10  }
0x32: {  	s10 =	sld [smem:$0x3FB4];
	_ =	sdelay $0x3  }
0x33: {  	p0 =	seq.s32 s10, $0x1;
	s10 =	sld [smem:$0x3FB6];
	_ =	sdelay $0x3  }
0x34: {  	[smem:$0x3FB6] =	sst s10  }
0x35: {  	s10 =	sld [smem:$0x3FB5];
	_ =	sdelay $0x3  }
0x36: {  	p1 =	seq.s32 s10, $0x1;
	s10 =	sld [smem:$0x3FB6];
	_ =	sdelay $0x3  }
0x37: {  	[smem:$0x3FB6] =	sst s10  }
0x38: {  	s10 =	sld [smem:$0x3FB7]  }
0x39: {  	_ = 	snop;
	(pc) =	sbr.ind lr, $3  }
0x3a: {  	_ = 	snop  }
0x3b: {  	_ = 	snop  }
0x3c: {  	p2 =	seq.s32 s10, $0x1;
	s10 =	sld [smem:$0x3FB6]  }
0x3d: {  	_ =	shalt  }
0x3e: {  	_ =	shalt  }
0x3f: {  	_ =	shalt  }
0x40: {  	_ =	shalt  }
0x41: {  	_ =	shalt  }
0x42: {  	_ =	shalt  }
0x43: {  	_ =	shalt  }
0x44: {  	_ =	shalt  }
0x45: {  	_ =	shalt  }
0x46: {  	_ =	shalt  }
0x47: {  	_ =	shalt  }
0x48: {  	_ =	shalt  }
0x49: {  	_ =	shalt  }
0x4a: {  	_ =	shalt  }
0x4b: {  	_ =	shalt  }
0x4c: {  	_ =	shalt  }
0x4d: {  	_ =	shalt  }
0x4e: {  	_ =	shalt  }
0x4f: {  	_ =	shalt  }
0x50: {  	_ =	shalt  }
0x51: {  	_ =	shalt  }
0x52: {  	_ =	shalt  }
0x53: {  	_ =	shalt  }
0x54: {  	_ =	shalt  }
0x55: {  	_ =	shalt  }
0x56: {  	_ =	shalt  }
0x57: {  	_ =	shalt  }
0x58: {  	_ =	shalt  }
0x59: {  	_ =	shalt  }
0x5a: {  	_ =	shalt  }
0x5b: {  	_ =	shalt  }
0x5c: {  	_ =	shalt  }
0x5d: {  	_ =	shalt  }
0x5e: {  	_ =	shalt  }
0x5f: {  	_ =	shalt  }
0x60: {  	_ =	shalt  }
0x61: {  	_ =	shalt  }
0x62: {  	_ =	shalt  }
0x63: {  	_ =	shalt  }
0x64: {  	_ =	shalt  }
0x65: {  	_ =	shalt  }
0x66: {  	_ =	shalt  }
0x67: {  	_ =	shalt  }
0x68: {  	_ =	shalt  }
0x69: {  	_ =	shalt  }
0x6a: {  	_ =	shalt  }
0x6b: {  	_ =	shalt  }
0x6c: {  	_ =	shalt  }
0x6d: {  	_ =	shalt  }
0x6e: {  	_ =	shalt  }
0x6f: {  	_ =	shalt  }
0x70: {  	_ =	shalt  }
0x71: {  	_ =	shalt  }
0x72: {  	_ =	shalt  }
0x73: {  	_ =	shalt  }
0x74: {  	_ =	shalt  }
0x75: {  	_ =	shalt  }
0x76: {  	_ =	shalt  }
0x77: {  	_ =	shalt  }
0x78: {  	_ =	shalt  }
0x79: {  	_ =	shalt  }
0x7a: {  	_ =	shalt  }
0x7b: {  	_ =	shalt  }
0x7c: {  	_ =	shalt  }
0x7d: {  	_ =	shalt  }
0x7e: {  	_ =	shalt  }
0x7f: {  	_ =	shalt  }
0x80: {  	_ =	shalt  }
0x81: {  	_ =	shalt  }
0x82: {  	_ =	shalt  }
0x83: {  	_ =	shalt  }
0x84: {  	_ =	shalt  }
0x85: {  	_ =	shalt  }
0x86: {  	_ =	shalt  }
0x87: {  	_ =	shalt  }
.Lfunc_end0:
.L_simem_size_0:
called_computation.1_lowered:
.L_overlay_start_0:
0x88: {  	s2 =	sld [smem:$0x3FD9]  }
0x89: {  	s3 =	sld [smem:$0x3FFE];
	_ =	sdelay $0x1  }
0x8a: {  	s1 =	srdreg.scid  }
0x8b: {  	s0 =	sand.u32 $0x1, s1  }
0x8c: {  	s17 =	sshll.u32 s0, $0xA;
	s2 =	sadd.s32 s3, s2  }
0x8d: {  	s2 =	sadd.s32 s2, s17  }
0x8e: {  	[smem:$0x3FC2] =	sst s2  }
0x8f: {  	_ = 	snop  }
0x90: {  	s2 =	sld [smem:$0x3FD0];
	(tm) =	ssettm $0x1  }
0x91: {  	s18 =	sld [smem:$0x3FFB];
	_ =	sdelay $0x3  }
0x92: {  	_ =	strace s18  }
0x93: {  	s3 =	sld [smem:$0x3FFC];
	_ =	sdelay $0x3  }
0x94: {  	_ =	strace s3  }
0x95: {  	s3 =	sld [smem:$0x3FFD];
	_ =	sdelay $0x3  }
0x96: {  	_ =	strace s3  }
0x97: {  	_ =	strace $0x8FFFFFFF  }
0x98: {  	s19 =	sld [smem:$0x3FDB];
	_ =	sdelay $0x1  }
0x99: {  	s4 =	simm.s32 $_scs_section_size  }
0x9a: {  	s5 =	simm.s32 $_size__tile_overlayer_lowered;
	s6 =	simm.s32 $_tile_overlayer_lowered  }
0x9b: {  	s22 =	simm.s32 $0x1BFF;
	s21 =	sshll.u32 s6, $0x1;
	s3 =	sadd.s32 s4, s19  }
0x9c: {  	s7 =	simm.s32 $0x0;
	s20 =	sshll.u32 s5, $0x1;
	s5 =	sadd.s32 s21, s3  }
0x9d: {  	[timem:s7], [sflag:s22] =	dma.local [hbm:s5], s20  }
0x9e: {  	_ =	swait.ge [sflag:s22], s20  }
0x9f: {  	s4 =	ssub.s32 $0x0, s20;
	[sflag:s22] =	ssyncset.done $0x0  }
0xa0: {  	[sflag:s22] =	ssyncadd.s32 s4;
	_ =	sdelay $0x1  }
0xa1: {  	s23 =	simm.s32 $0x1B8B  }
0xa2: {  	_ =	swait.ge [sflag:s23], $0x1  }
0xa3: {  	[sflag:s23] =	ssyncset.done $0x0  }
0xa4: {  	s25 =	simm.s32 $0x1B8E;
	s24 =	sld [smem:$0x3FFE];
	[sflag:s23] =	ssyncadd.s32 $0xFFFFFFFF  }
0xa5: {  	s26 =	simm.s32 $execute0_lowered;
	[smem:$0x3FD2] =	sst s25  }
0xa6: {  	s5 =	sshll.u32 s26, $0x1;
	_ =	strace $0x80000049;
	[dreg:$0x1] =	wrdreg $0xFFFFFFFF  }
0xa7: {  	s28 =	simm.s32 $_size_execute0_lowered;
	s3 =	sadd.s32 s3, s5;
	[dreg:$0x0] =	wrdreg $0x0  }
0xa8: {  	s5 =	sshll.u32 s28, $0x1;
	[dreg:$0x2] =	wrdreg s3  }
0xa9: {  	[dreg:$0x3] =	wrdreg s5  }
0xaa: {  	[dreg:$0x4] =	wrdreg $0xC0  }
0xab: {  	_ =	task [dreg:s7], $0x5FFFF  }
0xac: {  	[dreg:$0x1] =	wrdreg $0xFFFFFFFF  }
0xad: {  	[dreg:$0x0] =	wrdreg $0x60  }
0xae: {  	[dreg:$0x2] =	wrdreg s2  }
0xaf: {  	[dreg:$0x3] =	wrdreg s24  }
0xb0: {  	[dreg:$0x4] =	wrdreg $0x0  }
0xb1: {  	[dreg:$0x5] =	wrdreg $0x9  }
0xb2: {  	_ =	task.clear_ibuf [dreg:s7], $0x6FFFF;
	_ =	strace $0x90000049  }
0xb3: {  	s29 =	simm.s32 $0x9;
	_ =	strace $0x8000004B  }
0xb4: {  	_ =	swait.ge [sflag:s29], $0x1  }
0xb5: {  	[sflag:s29] =	ssyncadd.s32 $0xFFFFFFFF  }
0xb6: {  	_ =	strace $0x9000004B  }
0xb7: {  	_ =	sfence  }
0xb8: {  	s30 =	sld [smem:$0x0];
	_ =	sdelay $0x2  }
0xb9: {  	s31 =	sshll.u32 s1, $0xD;
	s1 =	sshrl.u32 s1, $0x2  }
0xba: {  	s3 =	sand.u32 $0x4000, s31;
	s1 =	sadd.s32 s1, s30  }
0xbb: {  	s0 =	sor.u32 s3, s0;
	s1 =	sshll.u32 s1, $0x11  }
0xbc: {  	s0 =	sor.u32 s1, s0  }
0xbd: {  	s0 =	sadd.s32 $0x8F2B, s0  }
0xbe: {  	[sflag:s0] =	ssyncadd.remote.s32 $0x1  }
0xbf: {  	_ =	sfence.sel $0xFFFF  }
0xc0: {  	[dreg:$0x0] =	wrdreg $0xFFFFFFFF;
	(pc) =	sbr.abs _section_cstart, $3  }
0xc1: {  	[dreg:$0x1] =	wrdreg $0xFFFFFFFF  }
0xc2: {  	_ =	task.clear_ibuf [dreg:s7], $0x2FFFF;
	_ =	strace $0x9FFFFFFF  }
0xc3: {  	(tm) =	ssettm $0x7FFFFFFF  }
tec
execute0_lowered:
.L_overlay_start_1:
0x0: {  	(tag) =	ssettag $0x1  }
0x1: {  	s1 =	rddreg [dreg:$0x0];
	s0 =	srdreg.scid  }
0x2: {  	s2 =	rddreg [dreg:$0x1];
	s13 =	stileid.u32  }
0x3: {  	s3 =	rddreg [dreg:$0x2];
	s4 =	simm.s32 $0x0;
	s19 =	simm.s32 $0x13980  }
0x4: {  	s20 =	simm.s32 $0x13A00;
	s21 =	simm.s32 $0x14180;
	s22 =	simm.s32 $0x13A80  }
0x5: {  	s23 =	simm.s32 $0x14200;
	s24 =	simm.s32 $0x13B00;
	s25 =	simm.s32 $0x14280  }
0x6: {  	s26 =	simm.s32 $0x13B80;
	s28 =	simm.s32 $0x14600;
	[smem:$0x7FF] =	sst s4  }
0x7: {  	s6 =	smul.u32 $0x2800, s13;
	_ =	strace $0x8000004A;
	[dreg:$0x6] =	wrdreg s19  }
0x8: {  	s29 =	simm.s32 $0x13F00;
	s7 =	smul.u32 $0x500, s13;
	[dreg:$0x7] =	wrdreg s20  }
0x9: {  	s30 =	simm.s32 $0x14680;
	s12 =	smul.u32 $0x4F000, s13;
	[dreg:$0x8] =	wrdreg s21  }
0xa: {  	s0 =	sand.u32 $0x1, s0;
	s9 =	smul.u32 $0x2780, s13;
	[dreg:$0x9] =	wrdreg s22  }
0xb: {  	s31 =	simm.s32 $0x13F80;
	s5 =	smul.u32 $0x28000, s0;
	[dreg:$0xa] =	wrdreg s23  }
0xc: {  	p0 =	seq.s32 s13, $0xF;
	s8 =	smul.u32 $0x27100, s0;
	[dreg:$0xb] =	wrdreg s24  }
0xd: {  	s10 =	ssub.s32 $0x2, s0;
	s0 =	smul.u32 $0x138800, s0;
	[dreg:$0xc] =	wrdreg s25  }
0xe: {  	[dreg:$0xd] =	wrdreg s26;
	s19 =	simm.s32 $0x1;
	s20 =	simm.s32 $0x2  }
0xf: {  	s21 =	simm.s32 $0x14480;
	s22 =	simm.s32 $0x13D80;
	s23 =	simm.s32 $0x14500  }
0x10: {  	s24 =	simm.s32 $0x13E00;
	s25 =	simm.s32 $0x14580;
	s26 =	simm.s32 $0x13E80  }
0x11: {  	s7 =	sadd.s32 s7, s2;
	s11 =	sshrl.u32 s10, $0x1;
	s5 =	sadd.s32 s5, s6  }
0x12: {  	s6 =	sshrl.u32 s12, $0x2;
	s12 =	smul.u32 $0x13C00, s13;
	s10 =	ssub.s32 s10, s11  }
0x13: {  	s8 =	sadd.s32 s9, s8;
	s14 =	sshrl.u32 s0, $0x3;
	s9 =	sadd.s32 $0x128400, s3  }
0x14: {  	s17 =	sadd.s32 $0x1200, s7;
	s7 =	simm.s32 $0x13C80;
	s5 =	sshrl.u32 s5, $0x3  }
0x15: {  	s6 =	sadd.s32 s6, s3;
	s8 =	sadd.s32 s1, s8;
	[dreg:$0x5] =	wrdreg s17  }
0x16: {  	s18 =	smax.u32 s10, $0x1;
	s17 =	simm.s32 $0x14900;
	[dreg:$0x11] =	wrdreg s7  }
0x17: {  	s7 =	simm.s32 $0x14800;
	s10 =	simm.s32 $0x0;
	[dreg:$0x14] =	wrdreg s8  }
0x18: {  	s5 =	sadd.s32 s5, s2;
	s2 =	sadd.s32 $0x10200, s2;
	[dreg:$0x18] =	wrdreg s18  }
0x19: {  	s11 =	sshrl.u32 @!p0 s6, $0x3;
	s6 =	simm.s32 $0x14380;
	[dreg:$0x1c] =	wrdreg s10  }
0x1a: {  	s0 =	sadd.s32 s12, s0;
	s8 =	sadd.s32 $0x25080, s14;
	[dreg:$0x10] =	wrdreg s6  }
0x1b: {  	s14 =	simm.s32 $0x3;
	s15 =	sadd.s32 s1, s8;
	[dreg:$0x1b] =	wrdreg s11  }
0x1c: {  	s18 =	simm.s32 $0x18900;
	s16 =	sadd.s32 $0x6200, s5;
	[dreg:$0x15] =	wrdreg s15  }
0x1d: {  	s0 =	sshrl.u32 s0, $0x3;
	s5 =	simm.s32 $0x13C00;
	[dreg:$0x4] =	wrdreg s16  }
0x1e: {  	s6 =	simm.s32 $0x14080;
	s0 =	sadd.s32 s2, s0;
	[dreg:$0xf] =	wrdreg s5  }
0x1f: {  	s2 =	sadd.s32 s2, s8;
	s15 =	simm.s32 $0x14100;
	[dreg:$0x16] =	wrdreg s0  }
0x20: {  	s16 =	simm.s32 $0x80;
	s8 =	simm.s32 $0x14400;
	[dreg:$0x17] =	wrdreg s2  }
0x21: {  	s5 =	simm.s32 $0x14780;
	s2 =	sshrl.u32 @p0 s9, $0x3;
	[dreg:$0x12] =	wrdreg s8  }
0x22: {  	s9 =	simm.s32 $0x13D00;
	[dreg:$0x19] =	wrdreg s2;
	s2 =	sshll.u32 @!p0 s13, $0x6  }
0x23: {  	[dreg:$0x13] =	wrdreg s9;
	s12 =	sor.u32 @!p0 $0x1C03, s2;
	s2 =	simm.s32 $0x14300  }
0x24: {  	s0 =	simm.s32 $0x14000;
	s8 =	simm.s32 $0x14880;
	[dreg:$0xe] =	wrdreg s2  }
0x25: {  	s13 =	simm.s32 $0x13900;
	s2 =	simm.s32 $0x14700;
	[dreg:$0x1a] =	wrdreg s12  }
.LBB2_1:
0x26: {  	s9 =	rddreg [dreg:$0x15]  }
0x27: {  	s10 =	simm.s32 @p0 $0x1FC3;
	s12 =	rddreg [dreg:$0x19]  }
0x28: {  	[spmem:s12], [sflag:s10] =	dma.local @p0 [hbm:s9], $0x2080  }
0x29: {  	s10 =	simm.s32 @p0 $0x3  }
0x2a: {  	_ =	swait.ge @p0 [sflag:s10], $0x2080  }
0x2b: {  	[sflag:s10] =	ssyncset.done @p0 $0x0;
	s9 =	rddreg [dreg:$0x14]  }
0x2c: {  	[sflag:s10] =	ssyncadd.s32 @p0 $0xFFFFDF80;
	s10 =	rddreg [dreg:$0x1a]  }
0x2d: {  	[spmem:s11], [sflag:s10] =	dma.local @!p0 [hbm:s9], $0x2780  }
0x2e: {  	s10 =	simm.s32 @!p0 $0x3  }
0x2f: {  	_ =	swait.ge @!p0 [sflag:s10], $0x2780  }
0x30: {  	[sflag:s10] =	ssyncset.done @!p0 $0x0  }
0x31: {  	[sflag:s10] =	ssyncadd.s32 @!p0 $0xFFFFD880  }
0x32: {  	[bflag:$0x0] =	sbarrier.arrive $0xFFFF  }
0x33: {  	s12 =	rddreg [dreg:$0x4]  }
0x34: {  	s10 =	sadd.s32 $0x0, s12  }
0x35: {  	[tilespmem:s13], [sflag:$0x3] =	stream.linear.gather [hbm4b:s10+s4], $0x800, $0x38;
	[tilespmem:$0x1C900] =	vst v63  }
0x36: {  	_ =	swait.ge [sflag:s14], $0x800  }
0x37: {  	s9 =	rddreg [dreg:$0x5];
	[sflag:s14] =	ssyncset.done $0x0  }
0x38: {  	[sflag:s14] =	ssyncadd.s32 $0xFFFFF800;
	s10 =	sadd.s32 $0x0, s9  }
0x39: {  	[tilespmem:s15], [sflag:$0x3] =	stream.linear.gather [hbm4b:s10+s4], $0x800, $0x38;
	[tilespmem:$0x1C900] =	vst v63  }
0x3a: {  	_ =	swait.ge [sflag:s14], $0x800  }
0x3b: {  	[sflag:s14] =	ssyncset.done $0x0  }
0x3c: {  	[sflag:s14] =	ssyncadd.s32 $0xFFFFF800  }
0x3d: {  	[tilespmem:s17], [sflag:$0x1] =	stream.indirect.gather [hbm4b:s1+s16], $0x80, s13, s16, $0xb8;
	[tilespmem:$0x1C900] =	vst v63  }
0x3e: {  	s11 =	rddreg [dreg:$0x6]  }
0x3f: {  	[tilespmem:s18], [sflag:$0x2] =	stream.indirect.gather [hbm4b:s1+s16], $0x80, s11, s16, $0xb8;
	[tilespmem:$0x1C900] =	vst v63  }
0x40: {  	_ =	swait.ge [sflag:s19], $0x4000  }
0x41: {  	[sflag:s19] =	ssyncset.done $0x0  }
0x42: {  	[sflag:s19] =	ssyncadd.s32 $0xFFFFC000  }
0x43: {  	[spmem:s3] =	stream.indirect.scatter.add.f32 [tilespmem:s17], [sflag:$0x3], $0x80, s15, s16, $0xb8;
	[tilespmem:$0x1C900] =	vst v63  }
0x44: {  	_ =	swait.ge [sflag:s14], $0x4000  }
0x45: {  	[sflag:s14] =	ssyncset.done $0x0  }
0x46: {  	s12 =	rddreg [dreg:$0x7];
	[sflag:s14] =	ssyncadd.s32 $0xFFFFC000  }
0x47: {  	[tilespmem:s17], [sflag:$0x1] =	stream.indirect.gather [hbm4b:s1+s16], $0x80, s12, s16, $0xb8;
	[tilespmem:$0x1C900] =	vst v63  }
0x48: {  	_ =	swait.ge [sflag:s20], $0x4000  }
0x49: {  	[sflag:s20] =	ssyncset.done $0x0  }
0x4a: {  	s9 =	rddreg [dreg:$0x8];
	[sflag:s20] =	ssyncadd.s32 $0xFFFFC000  }
0x4b: {  	[spmem:s3] =	stream.indirect.scatter.add.f32 [tilespmem:s18], [sflag:$0x3], $0x80, s9, s16, $0xb8;
	[tilespmem:$0x1C900] =	vst v63  }
0x4c: {  	_ =	swait.ge [sflag:s14], $0x4000  }
0x4d: {  	[sflag:s14] =	ssyncset.done $0x0  }
0x4e: {  	s11 =	rddreg [dreg:$0x9];
	[sflag:s14] =	ssyncadd.s32 $0xFFFFC000  }
0x4f: {  	[tilespmem:s18], [sflag:$0x2] =	stream.indirect.gather [hbm4b:s1+s16], $0x80, s11, s16, $0xb8;
	[tilespmem:$0x1C900] =	vst v63  }
0x50: {  	_ =	swait.ge [sflag:s19], $0x4000  }
0x51: {  	[sflag:s19] =	ssyncset.done $0x0  }
0x52: {  	s12 =	rddreg [dreg:$0xa];
	[sflag:s19] =	ssyncadd.s32 $0xFFFFC000  }
0x53: {  	[spmem:s3] =	stream.indirect.scatter.add.f32 [tilespmem:s17], [sflag:$0x3], $0x80, s12, s16, $0xb8;
	[tilespmem:$0x1C900] =	vst v63  }
0x54: {  	_ =	swait.ge [sflag:s14], $0x4000  }
0x55: {  	[sflag:s14] =	ssyncset.done $0x0  }
0x56: {  	s9 =	rddreg [dreg:$0xb];
	[sflag:s14] =	ssyncadd.s32 $0xFFFFC000  }
0x57: {  	[tilespmem:s17], [sflag:$0x1] =	stream.indirect.gather [hbm4b:s1+s16], $0x80, s9, s16, $0xb8;
	[tilespmem:$0x1C900] =	vst v63  }
0x58: {  	_ =	swait.ge [sflag:s20], $0x4000  }
0x59: {  	[sflag:s20] =	ssyncset.done $0x0  }
0x5a: {  	s11 =	rddreg [dreg:$0xc];
	[sflag:s20] =	ssyncadd.s32 $0xFFFFC000  }
0x5b: {  	[spmem:s3] =	stream.indirect.scatter.add.f32 [tilespmem:s18], [sflag:$0x3], $0x80, s11, s16, $0xb8;
	[tilespmem:$0x1C900] =	vst v63  }
0x5c: {  	_ =	swait.ge [sflag:s14], $0x4000  }
0x5d: {  	[sflag:s14] =	ssyncset.done $0x0  }
0x5e: {  	s12 =	rddreg [dreg:$0xd];
	[sflag:s14] =	ssyncadd.s32 $0xFFFFC000  }
0x5f: {  	[tilespmem:s18], [sflag:$0x2] =	stream.indirect.gather [hbm4b:s1+s16], $0x80, s12, s16, $0xb8;
	[tilespmem:$0x1C900] =	vst v63  }
0x60: {  	_ =	swait.ge [sflag:s19], $0x4000  }
0x61: {  	[sflag:s19] =	ssyncset.done $0x0  }
0x62: {  	s9 =	rddreg [dreg:$0xe];
	[sflag:s19] =	ssyncadd.s32 $0xFFFFC000  }
0x63: {  	[spmem:s3] =	stream.indirect.scatter.add.f32 [tilespmem:s17], [sflag:$0x3], $0x80, s9, s16, $0xb8;
	[tilespmem:$0x1C900] =	vst v63  }
0x64: {  	_ =	swait.ge [sflag:s14], $0x4000  }
0x65: {  	[sflag:s14] =	ssyncset.done $0x0  }
0x66: {  	s11 =	rddreg [dreg:$0xf];
	[sflag:s14] =	ssyncadd.s32 $0xFFFFC000  }
0x67: {  	[tilespmem:s17], [sflag:$0x1] =	stream.indirect.gather [hbm4b:s1+s16], $0x80, s11, s16, $0xb8;
	[tilespmem:$0x1C900] =	vst v63  }
0x68: {  	_ =	swait.ge [sflag:s20], $0x4000  }
0x69: {  	[sflag:s20] =	ssyncset.done $0x0  }
0x6a: {  	s12 =	rddreg [dreg:$0x10];
	[sflag:s20] =	ssyncadd.s32 $0xFFFFC000  }
0x6b: {  	[spmem:s3] =	stream.indirect.scatter.add.f32 [tilespmem:s18], [sflag:$0x3], $0x80, s12, s16, $0xb8;
	[tilespmem:$0x1C900] =	vst v63  }
0x6c: {  	_ =	swait.ge [sflag:s14], $0x4000  }
0x6d: {  	[sflag:s14] =	ssyncset.done $0x0  }
0x6e: {  	s9 =	rddreg [dreg:$0x11];
	[sflag:s14] =	ssyncadd.s32 $0xFFFFC000  }
0x6f: {  	[tilespmem:s18], [sflag:$0x2] =	stream.indirect.gather [hbm4b:s1+s16], $0x80, s9, s16, $0xb8;
	[tilespmem:$0x1C900] =	vst v63  }
0x70: {  	_ =	swait.ge [sflag:s19], $0x4000  }
0x71: {  	[sflag:s19] =	ssyncset.done $0x0  }
0x72: {  	s11 =	rddreg [dreg:$0x12];
	[sflag:s19] =	ssyncadd.s32 $0xFFFFC000  }
0x73: {  	[spmem:s3] =	stream.indirect.scatter.add.f32 [tilespmem:s17], [sflag:$0x3], $0x80, s11, s16, $0xb8;
	[tilespmem:$0x1C900] =	vst v63  }
0x74: {  	_ =	swait.ge [sflag:s14], $0x4000  }
0x75: {  	[sflag:s14] =	ssyncset.done $0x0  }
0x76: {  	s12 =	rddreg [dreg:$0x13];
	[sflag:s14] =	ssyncadd.s32 $0xFFFFC000  }
0x77: {  	[tilespmem:s17], [sflag:$0x1] =	stream.indirect.gather [hbm4b:s1+s16], $0x80, s12, s16, $0xb8;
	[tilespmem:$0x1C900] =	vst v63  }
0x78: {  	_ =	swait.ge [sflag:s20], $0x4000  }
0x79: {  	[sflag:s20] =	ssyncset.done $0x0  }
0x7a: {  	[sflag:s20] =	ssyncadd.s32 $0xFFFFC000  }
0x7b: {  	[spmem:s3] =	stream.indirect.scatter.add.f32 [tilespmem:s18], [sflag:$0x3], $0x80, s21, s16, $0xb8;
	[tilespmem:$0x1C900] =	vst v63  }
0x7c: {  	_ =	swait.ge [sflag:s14], $0x4000  }
0x7d: {  	[sflag:s14] =	ssyncset.done $0x0  }
0x7e: {  	[sflag:s14] =	ssyncadd.s32 $0xFFFFC000  }
0x7f: {  	[tilespmem:s18], [sflag:$0x2] =	stream.indirect.gather [hbm4b:s1+s16], $0x80, s22, s16, $0xb8;
	[tilespmem:$0x1C900] =	vst v63  }
0x80: {  	_ =	swait.ge [sflag:s19], $0x4000  }
0x81: {  	[sflag:s19] =	ssyncset.done $0x0  }
0x82: {  	[sflag:s19] =	ssyncadd.s32 $0xFFFFC000  }
0x83: {  	[spmem:s3] =	stream.indirect.scatter.add.f32 [tilespmem:s17], [sflag:$0x3], $0x80, s23, s16, $0xb8;
	[tilespmem:$0x1C900] =	vst v63  }
0x84: {  	_ =	swait.ge [sflag:s14], $0x4000  }
0x85: {  	[sflag:s14] =	ssyncset.done $0x0  }
0x86: {  	[sflag:s14] =	ssyncadd.s32 $0xFFFFC000  }
0x87: {  	[tilespmem:s17], [sflag:$0x1] =	stream.indirect.gather [hbm4b:s1+s16], $0x80, s24, s16, $0xb8;
	[tilespmem:$0x1C900] =	vst v63  }
0x88: {  	_ =	swait.ge [sflag:s20], $0x4000  }
0x89: {  	[sflag:s20] =	ssyncset.done $0x0  }
0x8a: {  	[sflag:s20] =	ssyncadd.s32 $0xFFFFC000  }
0x8b: {  	[spmem:s3] =	stream.indirect.scatter.add.f32 [tilespmem:s18], [sflag:$0x3], $0x80, s25, s16, $0xb8;
	[tilespmem:$0x1C900] =	vst v63  }
0x8c: {  	_ =	swait.ge [sflag:s14], $0x4000  }
0x8d: {  	[sflag:s14] =	ssyncset.done $0x0  }
0x8e: {  	[sflag:s14] =	ssyncadd.s32 $0xFFFFC000  }
0x8f: {  	[tilespmem:s18], [sflag:$0x2] =	stream.indirect.gather [hbm4b:s1+s16], $0x80, s26, s16, $0xb8;
	[tilespmem:$0x1C900] =	vst v63  }
0x90: {  	_ =	swait.ge [sflag:s19], $0x4000  }
0x91: {  	[sflag:s19] =	ssyncset.done $0x0  }
0x92: {  	[sflag:s19] =	ssyncadd.s32 $0xFFFFC000  }
0x93: {  	[spmem:s3] =	stream.indirect.scatter.add.f32 [tilespmem:s17], [sflag:$0x3], $0x80, s28, s16, $0xb8;
	[tilespmem:$0x1C900] =	vst v63  }
0x94: {  	_ =	swait.ge [sflag:s14], $0x4000  }
0x95: {  	[sflag:s14] =	ssyncset.done $0x0  }
0x96: {  	[sflag:s14] =	ssyncadd.s32 $0xFFFFC000  }
0x97: {  	[tilespmem:s17], [sflag:$0x1] =	stream.indirect.gather [hbm4b:s1+s16], $0x80, s29, s16, $0xb8;
	[tilespmem:$0x1C900] =	vst v63  }
0x98: {  	_ =	swait.ge [sflag:s20], $0x4000  }
0x99: {  	[sflag:s20] =	ssyncset.done $0x0  }
0x9a: {  	[sflag:s20] =	ssyncadd.s32 $0xFFFFC000  }
0x9b: {  	[spmem:s3] =	stream.indirect.scatter.add.f32 [tilespmem:s18], [sflag:$0x3], $0x80, s30, s16, $0xb8;
	[tilespmem:$0x1C900] =	vst v63  }
0x9c: {  	_ =	swait.ge [sflag:s14], $0x4000  }
0x9d: {  	[sflag:s14] =	ssyncset.done $0x0  }
0x9e: {  	[sflag:s14] =	ssyncadd.s32 $0xFFFFC000  }
0x9f: {  	[tilespmem:s18], [sflag:$0x2] =	stream.indirect.gather [hbm4b:s1+s16], $0x80, s31, s16, $0xb8;
	[tilespmem:$0x1C900] =	vst v63  }
0xa0: {  	_ =	swait.ge [sflag:s19], $0x4000  }
0xa1: {  	[sflag:s19] =	ssyncset.done $0x0  }
0xa2: {  	[sflag:s19] =	ssyncadd.s32 $0xFFFFC000  }
0xa3: {  	[spmem:s3] =	stream.indirect.scatter.add.f32 [tilespmem:s17], [sflag:$0x3], $0x80, s2, s16, $0xb8;
	[tilespmem:$0x1C900] =	vst v63  }
0xa4: {  	_ =	swait.ge [sflag:s14], $0x4000  }
0xa5: {  	[sflag:s14] =	ssyncset.done $0x0  }
0xa6: {  	[sflag:s14] =	ssyncadd.s32 $0xFFFFC000  }
0xa7: {  	[tilespmem:s17], [sflag:$0x1] =	stream.indirect.gather [hbm4b:s1+s16], $0x80, s0, s16, $0xb8;
	[tilespmem:$0x1C900] =	vst v63  }
0xa8: {  	_ =	swait.ge [sflag:s20], $0x4000  }
0xa9: {  	[sflag:s20] =	ssyncset.done $0x0  }
0xaa: {  	[sflag:s20] =	ssyncadd.s32 $0xFFFFC000  }
0xab: {  	[spmem:s3] =	stream.indirect.scatter.add.f32 [tilespmem:s18], [sflag:$0x3], $0x80, s5, s16, $0xb8;
	[tilespmem:$0x1C900] =	vst v63  }
0xac: {  	_ =	swait.ge [sflag:s14], $0x4000  }
0xad: {  	[sflag:s14] =	ssyncset.done $0x0  }
0xae: {  	[sflag:s14] =	ssyncadd.s32 $0xFFFFC000  }
0xaf: {  	[tilespmem:s18], [sflag:$0x2] =	stream.indirect.gather [hbm4b:s1+s16], $0x80, s6, s16, $0xb8;
	[tilespmem:$0x1C900] =	vst v63  }
0xb0: {  	_ =	swait.ge [sflag:s19], $0x4000  }
0xb1: {  	[sflag:s19] =	ssyncset.done $0x0  }
0xb2: {  	[sflag:s19] =	ssyncadd.s32 $0xFFFFC000  }
0xb3: {  	[spmem:s3] =	stream.indirect.scatter.add.f32 [tilespmem:s17], [sflag:$0x3], $0x80, s7, s16, $0xb8;
	[tilespmem:$0x1C900] =	vst v63  }
0xb4: {  	_ =	swait.ge [sflag:s14], $0x4000  }
0xb5: {  	[sflag:s14] =	ssyncset.done $0x0  }
0xb6: {  	[sflag:s14] =	ssyncadd.s32 $0xFFFFC000  }
0xb7: {  	_ =	swait.ge [sflag:s20], $0x4000  }
0xb8: {  	[sflag:s20] =	ssyncset.done $0x0  }
0xb9: {  	[sflag:s20] =	ssyncadd.s32 $0xFFFFC000  }
0xba: {  	[spmem:s3] =	stream.indirect.scatter.add.f32 [tilespmem:s18], [sflag:$0x3], $0x80, s8, s16, $0xb8;
	[tilespmem:$0x1C900] =	vst v63  }
0xbb: {  	s10 =	simm.s32 $0x100;
	_ =	swait.ge [sflag:s14], $0x4000  }
0xbc: {  	s11 =	simm.s32 $0x200;
	s12 =	rddreg [dreg:$0x4];
	[sflag:s14] =	ssyncset.done $0x0  }
.LBB2_2:
0xbd: {  	[sflag:s14] =	ssyncadd.s32 $0xFFFFC000;
	s12 =	sadd.s32 s10, s12  }
0xbe: {  	[tilespmem:s13], [sflag:$0x3] =	stream.linear.gather [hbm4b:s12+s4], $0x800, $0x38;
	[tilespmem:$0x1C900] =	vst v63  }
0xbf: {  	_ =	swait.ge [sflag:s14], $0x800  }
0xc0: {  	s12 =	rddreg [dreg:$0x5];
	[sflag:s14] =	ssyncset.done $0x0  }
0xc1: {  	[sflag:s14] =	ssyncadd.s32 $0xFFFFF800;
	s12 =	sadd.s32 s10, s12  }
0xc2: {  	[tilespmem:s15], [sflag:$0x3] =	stream.linear.gather [hbm4b:s12+s4], $0x800, $0x38;
	[tilespmem:$0x1C900] =	vst v63  }
0xc3: {  	_ =	swait.ge [sflag:s14], $0x800  }
0xc4: {  	[sflag:s14] =	ssyncset.done $0x0  }
0xc5: {  	[sflag:s14] =	ssyncadd.s32 $0xFFFFF800  }
0xc6: {  	[tilespmem:s17], [sflag:$0x1] =	stream.indirect.gather [hbm4b:s1+s16], $0x80, s13, s16, $0xb8;
	[tilespmem:$0x1C900] =	vst v63  }
0xc7: {  	s12 =	rddreg [dreg:$0x6]  }
0xc8: {  	[tilespmem:s18], [sflag:$0x2] =	stream.indirect.gather [hbm4b:s1+s16], $0x80, s12, s16, $0xb8;
	[tilespmem:$0x1C900] =	vst v63  }
0xc9: {  	_ =	swait.ge [sflag:s19], $0x4000  }
0xca: {  	[sflag:s19] =	ssyncset.done $0x0  }
0xcb: {  	[sflag:s19] =	ssyncadd.s32 $0xFFFFC000  }
0xcc: {  	[spmem:s3] =	stream.indirect.scatter.add.f32 [tilespmem:s17], [sflag:$0x3], $0x80, s15, s16, $0xb8;
	[tilespmem:$0x1C900] =	vst v63  }
0xcd: {  	_ =	swait.ge [sflag:s14], $0x4000  }
0xce: {  	[sflag:s14] =	ssyncset.done $0x0  }
0xcf: {  	s12 =	rddreg [dreg:$0x7];
	[sflag:s14] =	ssyncadd.s32 $0xFFFFC000  }
0xd0: {  	[tilespmem:s17], [sflag:$0x1] =	stream.indirect.gather [hbm4b:s1+s16], $0x80, s12, s16, $0xb8;
	[tilespmem:$0x1C900] =	vst v63  }
0xd1: {  	_ =	swait.ge [sflag:s20], $0x4000  }
0xd2: {  	[sflag:s20] =	ssyncset.done $0x0  }
0xd3: {  	s12 =	rddreg [dreg:$0x8];
	[sflag:s20] =	ssyncadd.s32 $0xFFFFC000  }
0xd4: {  	[spmem:s3] =	stream.indirect.scatter.add.f32 [tilespmem:s18], [sflag:$0x3], $0x80, s12, s16, $0xb8;
	[tilespmem:$0x1C900] =	vst v63  }
0xd5: {  	_ =	swait.ge [sflag:s14], $0x4000  }
0xd6: {  	[sflag:s14] =	ssyncset.done $0x0  }
0xd7: {  	s12 =	rddreg [dreg:$0x9];
	[sflag:s14] =	ssyncadd.s32 $0xFFFFC000  }
0xd8: {  	[tilespmem:s18], [sflag:$0x2] =	stream.indirect.gather [hbm4b:s1+s16], $0x80, s12, s16, $0xb8;
	[tilespmem:$0x1C900] =	vst v63  }
0xd9: {  	_ =	swait.ge [sflag:s19], $0x4000  }
0xda: {  	[sflag:s19] =	ssyncset.done $0x0  }
0xdb: {  	s12 =	rddreg [dreg:$0xa];
	[sflag:s19] =	ssyncadd.s32 $0xFFFFC000  }
0xdc: {  	[spmem:s3] =	stream.indirect.scatter.add.f32 [tilespmem:s17], [sflag:$0x3], $0x80, s12, s16, $0xb8;
	[tilespmem:$0x1C900] =	vst v63  }
0xdd: {  	_ =	swait.ge [sflag:s14], $0x4000  }
0xde: {  	[sflag:s14] =	ssyncset.done $0x0  }
0xdf: {  	s12 =	rddreg [dreg:$0xb];
	[sflag:s14] =	ssyncadd.s32 $0xFFFFC000  }
0xe0: {  	[tilespmem:s17], [sflag:$0x1] =	stream.indirect.gather [hbm4b:s1+s16], $0x80, s12, s16, $0xb8;
	[tilespmem:$0x1C900] =	vst v63  }
0xe1: {  	_ =	swait.ge [sflag:s20], $0x4000  }
0xe2: {  	[sflag:s20] =	ssyncset.done $0x0  }
0xe3: {  	s12 =	rddreg [dreg:$0xc];
	[sflag:s20] =	ssyncadd.s32 $0xFFFFC000  }
0xe4: {  	[spmem:s3] =	stream.indirect.scatter.add.f32 [tilespmem:s18], [sflag:$0x3], $0x80, s12, s16, $0xb8;
	[tilespmem:$0x1C900] =	vst v63  }
0xe5: {  	_ =	swait.ge [sflag:s14], $0x4000  }
0xe6: {  	[sflag:s14] =	ssyncset.done $0x0  }
0xe7: {  	s12 =	rddreg [dreg:$0xd];
	[sflag:s14] =	ssyncadd.s32 $0xFFFFC000  }
0xe8: {  	[tilespmem:s18], [sflag:$0x2] =	stream.indirect.gather [hbm4b:s1+s16], $0x80, s12, s16, $0xb8;
	[tilespmem:$0x1C900] =	vst v63  }
0xe9: {  	_ =	swait.ge [sflag:s19], $0x4000  }
0xea: {  	[sflag:s19] =	ssyncset.done $0x0  }
0xeb: {  	s12 =	rddreg [dreg:$0xe];
	[sflag:s19] =	ssyncadd.s32 $0xFFFFC000  }
0xec: {  	[spmem:s3] =	stream.indirect.scatter.add.f32 [tilespmem:s17], [sflag:$0x3], $0x80, s12, s16, $0xb8;
	[tilespmem:$0x1C900] =	vst v63  }
0xed: {  	_ =	swait.ge [sflag:s14], $0x4000  }
0xee: {  	[sflag:s14] =	ssyncset.done $0x0  }
0xef: {  	s12 =	rddreg [dreg:$0xf];
	[sflag:s14] =	ssyncadd.s32 $0xFFFFC000  }
0xf0: {  	[tilespmem:s17], [sflag:$0x1] =	stream.indirect.gather [hbm4b:s1+s16], $0x80, s12, s16, $0xb8;
	[tilespmem:$0x1C900] =	vst v63  }
0xf1: {  	_ =	swait.ge [sflag:s20], $0x4000  }
0xf2: {  	[sflag:s20] =	ssyncset.done $0x0  }
0xf3: {  	s12 =	rddreg [dreg:$0x10];
	[sflag:s20] =	ssyncadd.s32 $0xFFFFC000  }
0xf4: {  	[spmem:s3] =	stream.indirect.scatter.add.f32 [tilespmem:s18], [sflag:$0x3], $0x80, s12, s16, $0xb8;
	[tilespmem:$0x1C900] =	vst v63  }
0xf5: {  	_ =	swait.ge [sflag:s14], $0x4000  }
0xf6: {  	[sflag:s14] =	ssyncset.done $0x0  }
0xf7: {  	s12 =	rddreg [dreg:$0x11];
	[sflag:s14] =	ssyncadd.s32 $0xFFFFC000  }
0xf8: {  	[tilespmem:s18], [sflag:$0x2] =	stream.indirect.gather [hbm4b:s1+s16], $0x80, s12, s16, $0xb8;
	[tilespmem:$0x1C900] =	vst v63  }
0xf9: {  	_ =	swait.ge [sflag:s19], $0x4000  }
0xfa: {  	[sflag:s19] =	ssyncset.done $0x0  }
0xfb: {  	s12 =	rddreg [dreg:$0x12];
	[sflag:s19] =	ssyncadd.s32 $0xFFFFC000  }
0xfc: {  	[spmem:s3] =	stream.indirect.scatter.add.f32 [tilespmem:s17], [sflag:$0x3], $0x80, s12, s16, $0xb8;
	[tilespmem:$0x1C900] =	vst v63  }
0xfd: {  	_ =	swait.ge [sflag:s14], $0x4000  }
0xfe: {  	[sflag:s14] =	ssyncset.done $0x0  }
0xff: {  	s12 =	rddreg [dreg:$0x13];
	[sflag:s14] =	ssyncadd.s32 $0xFFFFC000  }
0x100: {  	[tilespmem:s17], [sflag:$0x1] =	stream.indirect.gather [hbm4b:s1+s16], $0x80, s12, s16, $0xb8;
	[tilespmem:$0x1C900] =	vst v63  }
0x101: {  	_ =	swait.ge [sflag:s20], $0x4000  }
0x102: {  	[sflag:s20] =	ssyncset.done $0x0  }
0x103: {  	[sflag:s20] =	ssyncadd.s32 $0xFFFFC000  }
0x104: {  	[spmem:s3] =	stream.indirect.scatter.add.f32 [tilespmem:s18], [sflag:$0x3], $0x80, s21, s16, $0xb8;
	[tilespmem:$0x1C900] =	vst v63  }
0x105: {  	_ =	swait.ge [sflag:s14], $0x4000  }
0x106: {  	[sflag:s14] =	ssyncset.done $0x0  }
0x107: {  	[sflag:s14] =	ssyncadd.s32 $0xFFFFC000  }
0x108: {  	[tilespmem:s18], [sflag:$0x2] =	stream.indirect.gather [hbm4b:s1+s16], $0x80, s22, s16, $0xb8;
	[tilespmem:$0x1C900] =	vst v63  }
0x109: {  	_ =	swait.ge [sflag:s19], $0x4000  }
0x10a: {  	[sflag:s19] =	ssyncset.done $0x0  }
0x10b: {  	[sflag:s19] =	ssyncadd.s32 $0xFFFFC000  }
0x10c: {  	[spmem:s3] =	stream.indirect.scatter.add.f32 [tilespmem:s17], [sflag:$0x3], $0x80, s23, s16, $0xb8;
	[tilespmem:$0x1C900] =	vst v63  }
0x10d: {  	_ =	swait.ge [sflag:s14], $0x4000  }
0x10e: {  	[sflag:s14] =	ssyncset.done $0x0  }
0x10f: {  	[sflag:s14] =	ssyncadd.s32 $0xFFFFC000  }
0x110: {  	[tilespmem:s17], [sflag:$0x1] =	stream.indirect.gather [hbm4b:s1+s16], $0x80, s24, s16, $0xb8;
	[tilespmem:$0x1C900] =	vst v63  }
0x111: {  	_ =	swait.ge [sflag:s20], $0x4000  }
0x112: {  	[sflag:s20] =	ssyncset.done $0x0  }
0x113: {  	[sflag:s20] =	ssyncadd.s32 $0xFFFFC000  }
0x114: {  	[spmem:s3] =	stream.indirect.scatter.add.f32 [tilespmem:s18], [sflag:$0x3], $0x80, s25, s16, $0xb8;
	[tilespmem:$0x1C900] =	vst v63  }
0x115: {  	_ =	swait.ge [sflag:s14], $0x4000  }
0x116: {  	[sflag:s14] =	ssyncset.done $0x0  }
0x117: {  	[sflag:s14] =	ssyncadd.s32 $0xFFFFC000  }
0x118: {  	[tilespmem:s18], [sflag:$0x2] =	stream.indirect.gather [hbm4b:s1+s16], $0x80, s26, s16, $0xb8;
	[tilespmem:$0x1C900] =	vst v63  }
0x119: {  	_ =	swait.ge [sflag:s19], $0x4000  }
0x11a: {  	[sflag:s19] =	ssyncset.done $0x0  }
0x11b: {  	[sflag:s19] =	ssyncadd.s32 $0xFFFFC000  }
0x11c: {  	[spmem:s3] =	stream.indirect.scatter.add.f32 [tilespmem:s17], [sflag:$0x3], $0x80, s28, s16, $0xb8;
	[tilespmem:$0x1C900] =	vst v63  }
0x11d: {  	_ =	swait.ge [sflag:s14], $0x4000  }
0x11e: {  	[sflag:s14] =	ssyncset.done $0x0  }
0x11f: {  	[sflag:s14] =	ssyncadd.s32 $0xFFFFC000  }
0x120: {  	[tilespmem:s17], [sflag:$0x1] =	stream.indirect.gather [hbm4b:s1+s16], $0x80, s29, s16, $0xb8;
	[tilespmem:$0x1C900] =	vst v63  }
0x121: {  	_ =	swait.ge [sflag:s20], $0x4000  }
0x122: {  	[sflag:s20] =	ssyncset.done $0x0  }
0x123: {  	[sflag:s20] =	ssyncadd.s32 $0xFFFFC000  }
0x124: {  	[spmem:s3] =	stream.indirect.scatter.add.f32 [tilespmem:s18], [sflag:$0x3], $0x80, s30, s16, $0xb8;
	[tilespmem:$0x1C900] =	vst v63  }
0x125: {  	_ =	swait.ge [sflag:s14], $0x4000  }
0x126: {  	[sflag:s14] =	ssyncset.done $0x0  }
0x127: {  	[sflag:s14] =	ssyncadd.s32 $0xFFFFC000  }
0x128: {  	[tilespmem:s18], [sflag:$0x2] =	stream.indirect.gather [hbm4b:s1+s16], $0x80, s31, s16, $0xb8;
	[tilespmem:$0x1C900] =	vst v63  }
0x129: {  	_ =	swait.ge [sflag:s19], $0x4000  }
0x12a: {  	[sflag:s19] =	ssyncset.done $0x0  }
0x12b: {  	[sflag:s19] =	ssyncadd.s32 $0xFFFFC000  }
0x12c: {  	[spmem:s3] =	stream.indirect.scatter.add.f32 [tilespmem:s17], [sflag:$0x3], $0x80, s2, s16, $0xb8;
	[tilespmem:$0x1C900] =	vst v63  }
0x12d: {  	_ =	swait.ge [sflag:s14], $0x4000  }
0x12e: {  	[sflag:s14] =	ssyncset.done $0x0  }
0x12f: {  	[sflag:s14] =	ssyncadd.s32 $0xFFFFC000  }
0x130: {  	[tilespmem:s17], [sflag:$0x1] =	stream.indirect.gather [hbm4b:s1+s16], $0x80, s0, s16, $0xb8;
	[tilespmem:$0x1C900] =	vst v63  }
0x131: {  	_ =	swait.ge [sflag:s20], $0x4000  }
0x132: {  	[sflag:s20] =	ssyncset.done $0x0  }
0x133: {  	[sflag:s20] =	ssyncadd.s32 $0xFFFFC000  }
0x134: {  	[spmem:s3] =	stream.indirect.scatter.add.f32 [tilespmem:s18], [sflag:$0x3], $0x80, s5, s16, $0xb8;
	[tilespmem:$0x1C900] =	vst v63  }
0x135: {  	_ =	swait.ge [sflag:s14], $0x4000  }
0x136: {  	[sflag:s14] =	ssyncset.done $0x0  }
0x137: {  	[sflag:s14] =	ssyncadd.s32 $0xFFFFC000  }
0x138: {  	[tilespmem:s18], [sflag:$0x2] =	stream.indirect.gather [hbm4b:s1+s16], $0x80, s6, s16, $0xb8;
	[tilespmem:$0x1C900] =	vst v63  }
0x139: {  	_ =	swait.ge [sflag:s19], $0x4000  }
0x13a: {  	[sflag:s19] =	ssyncset.done $0x0  }
0x13b: {  	[sflag:s19] =	ssyncadd.s32 $0xFFFFC000  }
0x13c: {  	[spmem:s3] =	stream.indirect.scatter.add.f32 [tilespmem:s17], [sflag:$0x3], $0x80, s7, s16, $0xb8;
	[tilespmem:$0x1C900] =	vst v63  }
0x13d: {  	_ =	swait.ge [sflag:s14], $0x4000  }
0x13e: {  	[sflag:s14] =	ssyncset.done $0x0  }
0x13f: {  	[sflag:s14] =	ssyncadd.s32 $0xFFFFC000  }
0x140: {  	p1 =	sne.s32 s11, $0x400;
	_ =	swait.ge [sflag:s20], $0x4000  }
.Ltmp0:
0x141: {  	[sflag:s20] =	ssyncset.done $0x0;
	(pc) =	sbr.rel @p1 .LBB2_2-.Ltmp0, $4  }
0x142: {  	[sflag:s20] =	ssyncadd.s32 $0xFFFFC000  }
0x143: {  	[spmem:s3] =	stream.indirect.scatter.add.f32 [tilespmem:s18], [sflag:$0x3], $0x80, s8, s16, $0xb8;
	[tilespmem:$0x1C900] =	vst v63  }
0x144: {  	s9 =	smov.u32 s11;
	s11 =	sadd.s32 $0x100, s11;
	_ =	swait.ge [sflag:s14], $0x4000  }
0x145: {  	s10 =	smov.u32 s9;
	s12 =	rddreg [dreg:$0x4];
	[sflag:s14] =	ssyncset.done $0x0  }
0x146: {  	[sflag:s14] =	ssyncadd.s32 $0xFFFFC000;
	s9 =	sadd.s32 s10, s12  }
0x147: {  	[tilespmem:s13], [sflag:$0x3] =	stream.linear.gather [hbm4b:s9+s4], $0x800, $0x38;
	[tilespmem:$0x1C900] =	vst v63  }
0x148: {  	_ =	swait.ge [sflag:s14], $0x800  }
0x149: {  	s12 =	rddreg [dreg:$0x5];
	[sflag:s14] =	ssyncset.done $0x0  }
0x14a: {  	s9 =	sadd.s32 s10, s12;
	[sflag:s14] =	ssyncadd.s32 $0xFFFFF800  }
0x14b: {  	[tilespmem:s15], [sflag:$0x3] =	stream.linear.gather [hbm4b:s9+s4], $0x800, $0x38;
	[tilespmem:$0x1C900] =	vst v63  }
0x14c: {  	_ =	swait.ge [sflag:s14], $0x800  }
0x14d: {  	[sflag:s14] =	ssyncset.done $0x0  }
0x14e: {  	[sflag:s14] =	ssyncadd.s32 $0xFFFFF800  }
0x14f: {  	[tilespmem:s17], [sflag:$0x1] =	stream.indirect.gather [hbm4b:s1+s16], $0x80, s13, s16, $0xb8;
	[tilespmem:$0x1C900] =	vst v63  }
0x150: {  	s10 =	rddreg [dreg:$0x6]  }
0x151: {  	[tilespmem:s18], [sflag:$0x2] =	stream.indirect.gather [hbm4b:s1+s16], $0x80, s10, s16, $0xb8;
	[tilespmem:$0x1C900] =	vst v63  }
0x152: {  	_ =	swait.ge [sflag:s19], $0x4000  }
0x153: {  	[sflag:s19] =	ssyncset.done $0x0  }
0x154: {  	[sflag:s19] =	ssyncadd.s32 $0xFFFFC000  }
0x155: {  	[spmem:s3] =	stream.indirect.scatter.add.f32 [tilespmem:s17], [sflag:$0x3], $0x80, s15, s16, $0xb8;
	[tilespmem:$0x1C900] =	vst v63  }
0x156: {  	_ =	swait.ge [sflag:s14], $0x4000  }
0x157: {  	[sflag:s14] =	ssyncset.done $0x0  }
0x158: {  	s11 =	rddreg [dreg:$0x7];
	[sflag:s14] =	ssyncadd.s32 $0xFFFFC000  }
0x159: {  	[tilespmem:s17], [sflag:$0x1] =	stream.indirect.gather [hbm4b:s1+s16], $0x80, s11, s16, $0xb8;
	[tilespmem:$0x1C900] =	vst v63  }
0x15a: {  	_ =	swait.ge [sflag:s20], $0x4000  }
0x15b: {  	[sflag:s20] =	ssyncset.done $0x0  }
0x15c: {  	s12 =	rddreg [dreg:$0x8];
	[sflag:s20] =	ssyncadd.s32 $0xFFFFC000  }
0x15d: {  	[spmem:s3] =	stream.indirect.scatter.add.f32 [tilespmem:s18], [sflag:$0x3], $0x80, s12, s16, $0xb8;
	[tilespmem:$0x1C900] =	vst v63  }
0x15e: {  	_ =	swait.ge [sflag:s14], $0x4000  }
0x15f: {  	[sflag:s14] =	ssyncset.done $0x0  }
0x160: {  	s10 =	rddreg [dreg:$0x9];
	[sflag:s14] =	ssyncadd.s32 $0xFFFFC000  }
0x161: {  	[tilespmem:s18], [sflag:$0x2] =	stream.indirect.gather [hbm4b:s1+s16], $0x80, s10, s16, $0xb8;
	[tilespmem:$0x1C900] =	vst v63  }
0x162: {  	_ =	swait.ge [sflag:s19], $0x4000  }
0x163: {  	[sflag:s19] =	ssyncset.done $0x0  }
0x164: {  	s11 =	rddreg [dreg:$0xa];
	[sflag:s19] =	ssyncadd.s32 $0xFFFFC000  }
0x165: {  	[spmem:s3] =	stream.indirect.scatter.add.f32 [tilespmem:s17], [sflag:$0x3], $0x80, s11, s16, $0xb8;
	[tilespmem:$0x1C900] =	vst v63  }
0x166: {  	_ =	swait.ge [sflag:s14], $0x4000  }
0x167: {  	[sflag:s14] =	ssyncset.done $0x0  }
0x168: {  	s12 =	rddreg [dreg:$0xb];
	[sflag:s14] =	ssyncadd.s32 $0xFFFFC000  }
0x169: {  	[tilespmem:s17], [sflag:$0x1] =	stream.indirect.gather [hbm4b:s1+s16], $0x80, s12, s16, $0xb8;
	[tilespmem:$0x1C900] =	vst v63  }
0x16a: {  	_ =	swait.ge [sflag:s20], $0x4000  }
0x16b: {  	[sflag:s20] =	ssyncset.done $0x0  }
0x16c: {  	s10 =	rddreg [dreg:$0xc];
	[sflag:s20] =	ssyncadd.s32 $0xFFFFC000  }
0x16d: {  	[spmem:s3] =	stream.indirect.scatter.add.f32 [tilespmem:s18], [sflag:$0x3], $0x80, s10, s16, $0xb8;
	[tilespmem:$0x1C900] =	vst v63  }
0x16e: {  	_ =	swait.ge [sflag:s14], $0x4000  }
0x16f: {  	[sflag:s14] =	ssyncset.done $0x0  }
0x170: {  	s11 =	rddreg [dreg:$0xd];
	[sflag:s14] =	ssyncadd.s32 $0xFFFFC000  }
0x171: {  	[tilespmem:s18], [sflag:$0x2] =	stream.indirect.gather [hbm4b:s1+s16], $0x80, s11, s16, $0xb8;
	[tilespmem:$0x1C900] =	vst v63  }
0x172: {  	_ =	swait.ge [sflag:s19], $0x4000  }
0x173: {  	[sflag:s19] =	ssyncset.done $0x0  }
0x174: {  	s12 =	rddreg [dreg:$0xe];
	[sflag:s19] =	ssyncadd.s32 $0xFFFFC000  }
0x175: {  	[spmem:s3] =	stream.indirect.scatter.add.f32 [tilespmem:s17], [sflag:$0x3], $0x80, s12, s16, $0xb8;
	[tilespmem:$0x1C900] =	vst v63  }
0x176: {  	_ =	swait.ge [sflag:s14], $0x4000  }
0x177: {  	[sflag:s14] =	ssyncset.done $0x0  }
0x178: {  	s10 =	rddreg [dreg:$0xf];
	[sflag:s14] =	ssyncadd.s32 $0xFFFFC000  }
0x179: {  	[tilespmem:s17], [sflag:$0x1] =	stream.indirect.gather [hbm4b:s1+s16], $0x80, s10, s16, $0xb8;
	[tilespmem:$0x1C900] =	vst v63  }
0x17a: {  	_ =	swait.ge [sflag:s20], $0x4000  }
0x17b: {  	[sflag:s20] =	ssyncset.done $0x0  }
0x17c: {  	s11 =	rddreg [dreg:$0x10];
	[sflag:s20] =	ssyncadd.s32 $0xFFFFC000  }
0x17d: {  	[spmem:s3] =	stream.indirect.scatter.add.f32 [tilespmem:s18], [sflag:$0x3], $0x80, s11, s16, $0xb8;
	[tilespmem:$0x1C900] =	vst v63  }
0x17e: {  	_ =	swait.ge [sflag:s14], $0x4000  }
0x17f: {  	[sflag:s14] =	ssyncset.done $0x0  }
0x180: {  	s12 =	rddreg [dreg:$0x11];
	[sflag:s14] =	ssyncadd.s32 $0xFFFFC000  }
0x181: {  	[tilespmem:s18], [sflag:$0x2] =	stream.indirect.gather [hbm4b:s1+s16], $0x80, s12, s16, $0xb8;
	[tilespmem:$0x1C900] =	vst v63  }
0x182: {  	_ =	swait.ge [sflag:s19], $0x4000  }
0x183: {  	[sflag:s19] =	ssyncset.done $0x0  }
0x184: {  	s10 =	rddreg [dreg:$0x12];
	[sflag:s19] =	ssyncadd.s32 $0xFFFFC000  }
0x185: {  	[spmem:s3] =	stream.indirect.scatter.add.f32 [tilespmem:s17], [sflag:$0x3], $0x80, s10, s16, $0xb8;
	[tilespmem:$0x1C900] =	vst v63  }
0x186: {  	_ =	swait.ge [sflag:s14], $0x4000  }
0x187: {  	[sflag:s14] =	ssyncset.done $0x0  }
0x188: {  	s11 =	rddreg [dreg:$0x13];
	[sflag:s14] =	ssyncadd.s32 $0xFFFFC000  }
0x189: {  	[tilespmem:s17], [sflag:$0x1] =	stream.indirect.gather [hbm4b:s1+s16], $0x80, s11, s16, $0xb8;
	[tilespmem:$0x1C900] =	vst v63  }
0x18a: {  	_ =	swait.ge [sflag:s20], $0x4000  }
0x18b: {  	[sflag:s20] =	ssyncset.done $0x0  }
0x18c: {  	[sflag:s20] =	ssyncadd.s32 $0xFFFFC000  }
0x18d: {  	[spmem:s3] =	stream.indirect.scatter.add.f32 [tilespmem:s18], [sflag:$0x3], $0x80, s21, s16, $0xb8;
	[tilespmem:$0x1C900] =	vst v63  }
0x18e: {  	_ =	swait.ge [sflag:s14], $0x4000  }
0x18f: {  	[sflag:s14] =	ssyncset.done $0x0  }
0x190: {  	[sflag:s14] =	ssyncadd.s32 $0xFFFFC000  }
0x191: {  	[tilespmem:s18], [sflag:$0x2] =	stream.indirect.gather [hbm4b:s1+s16], $0x80, s22, s16, $0xb8;
	[tilespmem:$0x1C900] =	vst v63  }
0x192: {  	_ =	swait.ge [sflag:s19], $0x4000  }
0x193: {  	[sflag:s19] =	ssyncset.done $0x0  }
0x194: {  	[sflag:s19] =	ssyncadd.s32 $0xFFFFC000  }
0x195: {  	[spmem:s3] =	stream.indirect.scatter.add.f32 [tilespmem:s17], [sflag:$0x3], $0x80, s23, s16, $0xb8;
	[tilespmem:$0x1C900] =	vst v63  }
0x196: {  	_ =	swait.ge [sflag:s14], $0x4000  }
0x197: {  	[sflag:s14] =	ssyncset.done $0x0  }
0x198: {  	[sflag:s14] =	ssyncadd.s32 $0xFFFFC000  }
0x199: {  	[tilespmem:s17], [sflag:$0x1] =	stream.indirect.gather [hbm4b:s1+s16], $0x80, s24, s16, $0xb8;
	[tilespmem:$0x1C900] =	vst v63  }
0x19a: {  	_ =	swait.ge [sflag:s20], $0x4000  }
0x19b: {  	[sflag:s20] =	ssyncset.done $0x0  }
0x19c: {  	[sflag:s20] =	ssyncadd.s32 $0xFFFFC000  }
0x19d: {  	[spmem:s3] =	stream.indirect.scatter.add.f32 [tilespmem:s18], [sflag:$0x3], $0x80, s25, s16, $0xb8;
	[tilespmem:$0x1C900] =	vst v63  }
0x19e: {  	_ =	swait.ge [sflag:s14], $0x4000  }
0x19f: {  	[sflag:s14] =	ssyncset.done $0x0  }
0x1a0: {  	[sflag:s14] =	ssyncadd.s32 $0xFFFFC000  }
0x1a1: {  	[tilespmem:s18], [sflag:$0x2] =	stream.indirect.gather [hbm4b:s1+s16], $0x80, s26, s16, $0xb8;
	[tilespmem:$0x1C900] =	vst v63  }
0x1a2: {  	_ =	swait.ge [sflag:s19], $0x4000  }
0x1a3: {  	[sflag:s19] =	ssyncset.done $0x0  }
0x1a4: {  	[sflag:s19] =	ssyncadd.s32 $0xFFFFC000  }
0x1a5: {  	[spmem:s3] =	stream.indirect.scatter.add.f32 [tilespmem:s17], [sflag:$0x3], $0x80, s28, s16, $0xb8;
	[tilespmem:$0x1C900] =	vst v63  }
0x1a6: {  	_ =	swait.ge [sflag:s14], $0x4000  }
0x1a7: {  	[sflag:s14] =	ssyncset.done $0x0  }
0x1a8: {  	[sflag:s14] =	ssyncadd.s32 $0xFFFFC000  }
0x1a9: {  	[tilespmem:s17], [sflag:$0x1] =	stream.indirect.gather [hbm4b:s1+s16], $0x80, s29, s16, $0xb8;
	[tilespmem:$0x1C900] =	vst v63  }
0x1aa: {  	_ =	swait.ge [sflag:s20], $0x4000  }
0x1ab: {  	[sflag:s20] =	ssyncset.done $0x0  }
0x1ac: {  	[sflag:s20] =	ssyncadd.s32 $0xFFFFC000  }
0x1ad: {  	[spmem:s3] =	stream.indirect.scatter.add.f32 [tilespmem:s18], [sflag:$0x3], $0x80, s30, s16, $0xb8;
	[tilespmem:$0x1C900] =	vst v63  }
0x1ae: {  	_ =	swait.ge [sflag:s14], $0x4000  }
0x1af: {  	[sflag:s14] =	ssyncset.done $0x0  }
0x1b0: {  	[sflag:s14] =	ssyncadd.s32 $0xFFFFC000  }
0x1b1: {  	[tilespmem:s18], [sflag:$0x2] =	stream.indirect.gather [hbm4b:s1+s16], $0x80, s31, s16, $0xb8;
	[tilespmem:$0x1C900] =	vst v63  }
0x1b2: {  	_ =	swait.ge [sflag:s19], $0x4000  }
0x1b3: {  	[sflag:s19] =	ssyncset.done $0x0  }
0x1b4: {  	[sflag:s19] =	ssyncadd.s32 $0xFFFFC000  }
0x1b5: {  	[spmem:s3] =	stream.indirect.scatter.add.f32 [tilespmem:s17], [sflag:$0x3], $0x80, s2, s16, $0xb8;
	[tilespmem:$0x1C900] =	vst v63  }
0x1b6: {  	_ =	swait.ge [sflag:s14], $0x4000  }
0x1b7: {  	[sflag:s14] =	ssyncset.done $0x0  }
0x1b8: {  	[sflag:s14] =	ssyncadd.s32 $0xFFFFC000  }
0x1b9: {  	[tilespmem:s17], [sflag:$0x1] =	stream.indirect.gather [hbm4b:s1+s16], $0x80, s0, s16, $0xb8;
	[tilespmem:$0x1C900] =	vst v63  }
0x1ba: {  	_ =	swait.ge [sflag:s20], $0x4000  }
0x1bb: {  	[sflag:s20] =	ssyncset.done $0x0  }
0x1bc: {  	[sflag:s20] =	ssyncadd.s32 $0xFFFFC000  }
0x1bd: {  	[spmem:s3] =	stream.indirect.scatter.add.f32 [tilespmem:s18], [sflag:$0x3], $0x80, s5, s16, $0xb8;
	[tilespmem:$0x1C900] =	vst v63  }
0x1be: {  	_ =	swait.ge [sflag:s14], $0x4000  }
0x1bf: {  	[sflag:s14] =	ssyncset.done $0x0  }
0x1c0: {  	[sflag:s14] =	ssyncadd.s32 $0xFFFFC000  }
0x1c1: {  	[tilespmem:s18], [sflag:$0x2] =	stream.indirect.gather [hbm4b:s1+s16], $0x80, s6, s16, $0xb8;
	[tilespmem:$0x1C900] =	vst v63  }
0x1c2: {  	_ =	swait.ge [sflag:s19], $0x4000  }
0x1c3: {  	[sflag:s19] =	ssyncset.done $0x0  }
0x1c4: {  	[sflag:s19] =	ssyncadd.s32 $0xFFFFC000  }
0x1c5: {  	[spmem:s3] =	stream.indirect.scatter.add.f32 [tilespmem:s17], [sflag:$0x3], $0x80, s7, s16, $0xb8;
	[tilespmem:$0x1C900] =	vst v63  }
0x1c6: {  	_ =	swait.ge [sflag:s14], $0x4000  }
0x1c7: {  	[sflag:s14] =	ssyncset.done $0x0  }
0x1c8: {  	[sflag:s14] =	ssyncadd.s32 $0xFFFFC000  }
0x1c9: {  	_ =	swait.ge [sflag:s20], $0x4000  }
0x1ca: {  	[sflag:s20] =	ssyncset.done $0x0  }
0x1cb: {  	[sflag:s20] =	ssyncadd.s32 $0xFFFFC000  }
0x1cc: {  	[spmem:s3] =	stream.indirect.scatter.add.f32 [tilespmem:s18], [sflag:$0x3], $0x80, s8, s16, $0xb8;
	[tilespmem:$0x1C900] =	vst v63  }
0x1cd: {  	_ =	swait.ge [sflag:s14], $0x4000  }
0x1ce: {  	[sflag:s14] =	ssyncset.done $0x0  }
0x1cf: {  	[sflag:s14] =	ssyncadd.s32 $0xFFFFC000  }
0x1d0: {  	[bflag:$0x0] =	sbarrier.arrive $0xFFFF  }
0x1d1: {  	s10 =	rddreg [dreg:$0x17]  }
0x1d2: {  	s9 =	simm.s32 @p0 $0x1FC3;
	s11 =	rddreg [dreg:$0x19]  }
0x1d3: {  	[hbm:s10], [sflag:s9] =	dma.local @p0 [spmem:s11], $0x2080  }
0x1d4: {  	s9 =	simm.s32 @p0 $0x3  }
0x1d5: {  	_ =	swait.ge @p0 [sflag:s9], $0x2080  }
0x1d6: {  	s12 =	rddreg [dreg:$0x1a]  }
0x1d7: {  	[sflag:s9] =	ssyncset.done @p0 $0x0;
	s11 =	rddreg [dreg:$0x1b]  }
0x1d8: {  	s10 =	simm.s32 @!p0 $0x3;
	[sflag:s9] =	ssyncadd.s32 @p0 $0xFFFFDF80;
	s9 =	rddreg [dreg:$0x16]  }
0x1d9: {  	[hbm:s9], [sflag:s12] =	dma.local @!p0 [spmem:s11], $0x2780  }
0x1da: {  	_ =	swait.ge @!p0 [sflag:s10], $0x2780  }
0x1db: {  	s12 =	rddreg [dreg:$0x1c]  }
0x1dc: {  	s9 =	sadd.s32 $0x1, s12;
	s12 =	rddreg [dreg:$0x18]  }
0x1dd: {  	p1 =	sne.s32 s9, s12  }
.Ltmp1:
0x1de: {  	_ = 	snop;
	(pc) =	sbr.rel @p1 .LBB2_1-.Ltmp1, $3  }
0x1df: {  	_ =	sdelay $0x1  }
0x1e0: {  	[sflag:s10] =	ssyncset.done @!p0 $0x0;
	[dreg:$0x1c] =	wrdreg s9;
	s9 =	simm.s32 @!p0 $0x3  }
0x1e1: {  	[sflag:s9] =	ssyncadd.s32 @!p0 $0xFFFFD880  }
0x1e2: {  	_ =	sfence.sel $0x180000  }
0x1e3: {  	[bflag:$0x0] =	sbarrier.arrive $0xFFFF  }
0x1e4: {  	_ =	strace $0x9000004A  }
0x1e5: {  	s0 =	stileid.u32;
	[bflag:$0x2] =	sbarrier.arrive $0xFFFF  }
0x1e6: {  	p0 =	sne.s32 s0, $0x0;
	s0 =	rddreg [dreg:$0x3]  }
0x1e7: {  	s0 =	sadd.s32 @!p0 $0x100000, s0  }
0x1e8: {  	[sflag:s0] =	ssyncadd.tile.s32 @!p0 $0x1;
	_ =	shalt  }
.Lfunc_end2:
_tile_overlayer_lowered:
.L_overlay_start_2:
0x1e9: {  	(tag) =	ssettag $0x2  }
0x1ea: {  	s0 =	rddreg [dreg:$0x0];
	s2 =	stileid.u32  }
0x1eb: {  	s1 =	rddreg [dreg:$0x1];
	p0 =	sne.s32 s2, $0x0  }
0x1ec: {  	s3 =	rddreg [dreg:$0x2];
	[bflag:$0x3] =	sbarrier.arrive $0xFFFF;
	s2 =	simm.s32 @!p0 $0x1C03  }
0x1ed: {  	[timem:s3], [sflag:s2] =	dma.local @!p0 [hbm:s0], s1  }
0x1ee: {  	s0 =	simm.s32 @!p0 $0x3  }
0x1ef: {  	_ =	swait.ge @!p0 [sflag:s0], s1  }
0x1f0: {  	s1 =	ssub.s32 @!p0 $0x0, s1;
	[sflag:s0] =	ssyncset.done @!p0 $0x0  }
0x1f1: {  	[sflag:s0] =	ssyncadd.s32 @!p0 s1  }
0x1f2: {  	[bflag:$0x3] =	sbarrier.arrive $0xFFFF  }
0x1f3: {  	_ =	shalt  }

// kernel: kernel.7.cloned.1.call-start
scs
__scs_entry_jumppad:
0x0: {  	(pc) =	sbr.rel $0x88, $3  }
0x1: {  	(tag) =	ssettag $0x0;
	lr =	simm.s32 $0x1  }
0x2: {  	[smem:$0x3F9B] =	sst lr;
	_ =	strace $0xD0000000  }
0x3: {  	_ = 	snop  }
0x4: {  	_ = 	snop  }
0x5: {  	_ = 	snop  }
0x6: {  	_ = 	snop  }
0x7: {  	_ = 	snop  }
__scs_overlays_trampoline_lowered:
0x8: {  	[smem:$0x3FAA] =	sst s0  }
0x9: {  	[smem:$0x3FAB] =	sst s1  }
0xa: {  	[smem:$0x3FAC] =	sst s2  }
0xb: {  	[smem:$0x3FAD] =	sst s3  }
0xc: {  	[smem:$0x3FAE] =	sst s4  }
0xd: {  	[smem:$0x3FAF] =	sst s5  }
0xe: {  	[smem:$0x3FB0] =	sst s6  }
0xf: {  	[smem:$0x3FB1] =	sst s7  }
0x10: {  	[smem:$0x3FB2] =	sst s8  }
0x11: {  	[smem:$0x3FB3] =	sst s9;
	s0 =	simm.s32 @!p0 $0x0  }
0x12: {  	s1 =	sld [smem:$0x3F99];
	s0 =	simm.s32 @p0 $0x1  }
0x13: {  	[smem:$0x3FB4] =	sst s0;
	s0 =	simm.s32 @!p1 $0x0  }
0x14: {  	s2 =	sld [smem:$0x3F98];
	s0 =	simm.s32 @p1 $0x1  }
0x15: {  	[smem:$0x3FB5] =	sst s0;
	s0 =	simm.s32 @!p2 $0x0  }
0x16: {  	s3 =	sld [smem:$0x3FDB];
	s0 =	simm.s32 @p2 $0x1  }
0x17: {  	s4 =	simm.s32 $0x1BF5;
	[smem:$0x3FB7] =	sst s0  }
0x18: {  	s0 =	sld [smem:$0x3F9A];
	_ =	swait.ge [sflag:s4], $0x0  }
0x19: {  	s7 =	sld [smem:$0x3F9B]  }
0x1a: {  	s8 =	sadd.s32 $0xFFFFE003, lr  }
0x1b: {  	s9 =	sadd.s32 $0xFFFFFEF7, lr;
	s5 =	simm.s32 $0xFFFFFFFF;
	p2 =	slt.u32 s8, $0xFFFFF086  }
0x1c: {  	p1 =	slt.u32 s9, $0xF7A;
	s5 =	simm.s32 @!p2 $0x0  }
0x1d: {  	s5 =	simm.s32 @p1 $0x1;
	p0 =	seq.s32 s7, s2  }
0x1e: {  	s7 =	smul.u32 @!p0 $0xF7A, s2;
	p2 =	seq.s32 @!p0 s5, $0x0  }
0x1f: {  	s9 =	smul.u32 $0xF7A, s1;
	s8 =	simm.s32 @!p0 $0x1BF5;
	p2 =	por !p2, p0  }
0x20: {  	[sflag:s8] =	ssyncset.s32 @!p0 $0xFFFFF086;
	s6 =	sadd.s32 @!p0 s3, s7;
	s7 =	simm.s32 @!p0 $0x108  }
0x21: {  	s3 =	sadd.s32 s3, s9;
	s6 =	sadd.s32 @!p0 $0x88, s6;
	s7 =	simm.s32 @p2 $0x1082  }
0x22: {  	[simem:s7], [sflag:s8] =	dma.local @!p0 [hbm:s6], $0xF7A  }
0x23: {  	s9 =	sor.u32 $0xD0000000, s2;
	s6 =	simm.s32 $0x108;
	_ =	swait.ge @!p0 [sflag:s8], $0x0  }
0x24: {  	s3 =	sadd.s32 $0x88, s3;
	s6 =	simm.s32 @!p1 $0x1082;
	[sflag:s4] =	ssyncset.s32 $0xFFFFF086  }
0x25: {  	[simem:s6], [sflag:s4] =	dma.local [hbm:s3], $0xF7A  }
0x26: {  	[smem:$0x3F9B] =	sst s1;
	(tag) =	ssettag s2;
	_ =	strace s9  }
0x27: {  	s1 =	sld [smem:$0x3FAB]  }
0x28: {  	s2 =	sld [smem:$0x3FAC]  }
0x29: {  	s4 =	sld [smem:$0x3FAE]  }
0x2a: {  	p0 =	seq.s32 s5, $0x0;
	s5 =	sld [smem:$0x3FAF]  }
0x2b: {  	s6 =	sld [smem:$0x3FB0]  }
0x2c: {  	s7 =	sld [smem:$0x3FB1]  }
0x2d: {  	s3 =	simm.s32 $0x108;
	s8 =	sld [smem:$0x3FB2]  }
0x2e: {  	s3 =	simm.s32 @!p0 $0x1082;
	s9 =	sld [smem:$0x3FB3]  }
0x2f: {  	lr =	sadd.s32 s0, s3;
	s0 =	sld [smem:$0x3FAA]  }
0x30: {  	s3 =	sld [smem:$0x3FAD]  }
0x31: {  	[smem:$0x3FB6] =	sst s10  }
0x32: {  	s10 =	sld [smem:$0x3FB4];
	_ =	sdelay $0x3  }
0x33: {  	p0 =	seq.s32 s10, $0x1;
	s10 =	sld [smem:$0x3FB6];
	_ =	sdelay $0x3  }
0x34: {  	[smem:$0x3FB6] =	sst s10  }
0x35: {  	s10 =	sld [smem:$0x3FB5];
	_ =	sdelay $0x3  }
0x36: {  	p1 =	seq.s32 s10, $0x1;
	s10 =	sld [smem:$0x3FB6];
	_ =	sdelay $0x3  }
0x37: {  	[smem:$0x3FB6] =	sst s10  }
0x38: {  	s10 =	sld [smem:$0x3FB7]  }
0x39: {  	_ = 	snop;
	(pc) =	sbr.ind lr, $3  }
0x3a: {  	_ = 	snop  }
0x3b: {  	_ = 	snop  }
0x3c: {  	p2 =	seq.s32 s10, $0x1;
	s10 =	sld [smem:$0x3FB6]  }
0x3d: {  	_ =	shalt  }
0x3e: {  	_ =	shalt  }
0x3f: {  	_ =	shalt  }
0x40: {  	_ =	shalt  }
0x41: {  	_ =	shalt  }
0x42: {  	_ =	shalt  }
0x43: {  	_ =	shalt  }
0x44: {  	_ =	shalt  }
0x45: {  	_ =	shalt  }
0x46: {  	_ =	shalt  }
0x47: {  	_ =	shalt  }
0x48: {  	_ =	shalt  }
0x49: {  	_ =	shalt  }
0x4a: {  	_ =	shalt  }
0x4b: {  	_ =	shalt  }
0x4c: {  	_ =	shalt  }
0x4d: {  	_ =	shalt  }
0x4e: {  	_ =	shalt  }
0x4f: {  	_ =	shalt  }
0x50: {  	_ =	shalt  }
0x51: {  	_ =	shalt  }
0x52: {  	_ =	shalt  }
0x53: {  	_ =	shalt  }
0x54: {  	_ =	shalt  }
0x55: {  	_ =	shalt  }
0x56: {  	_ =	shalt  }
0x57: {  	_ =	shalt  }
0x58: {  	_ =	shalt  }
0x59: {  	_ =	shalt  }
0x5a: {  	_ =	shalt  }
0x5b: {  	_ =	shalt  }
0x5c: {  	_ =	shalt  }
0x5d: {  	_ =	shalt  }
0x5e: {  	_ =	shalt  }
0x5f: {  	_ =	shalt  }
0x60: {  	_ =	shalt  }
0x61: {  	_ =	shalt  }
0x62: {  	_ =	shalt  }
0x63: {  	_ =	shalt  }
0x64: {  	_ =	shalt  }
0x65: {  	_ =	shalt  }
0x66: {  	_ =	shalt  }
0x67: {  	_ =	shalt  }
0x68: {  	_ =	shalt  }
0x69: {  	_ =	shalt  }
0x6a: {  	_ =	shalt  }
0x6b: {  	_ =	shalt  }
0x6c: {  	_ =	shalt  }
0x6d: {  	_ =	shalt  }
0x6e: {  	_ =	shalt  }
0x6f: {  	_ =	shalt  }
0x70: {  	_ =	shalt  }
0x71: {  	_ =	shalt  }
0x72: {  	_ =	shalt  }
0x73: {  	_ =	shalt  }
0x74: {  	_ =	shalt  }
0x75: {  	_ =	shalt  }
0x76: {  	_ =	shalt  }
0x77: {  	_ =	shalt  }
0x78: {  	_ =	shalt  }
0x79: {  	_ =	shalt  }
0x7a: {  	_ =	shalt  }
0x7b: {  	_ =	shalt  }
0x7c: {  	_ =	shalt  }
0x7d: {  	_ =	shalt  }
0x7e: {  	_ =	shalt  }
0x7f: {  	_ =	shalt  }
0x80: {  	_ =	shalt  }
0x81: {  	_ =	shalt  }
0x82: {  	_ =	shalt  }
0x83: {  	_ =	shalt  }
0x84: {  	_ =	shalt  }
0x85: {  	_ =	shalt  }
0x86: {  	_ =	shalt  }
0x87: {  	_ =	shalt  }
.Lfunc_end0:
.L_simem_size_0:
called_computation_lowered:
.L_overlay_start_0:
0x88: {  	s2 =	sld [smem:$0x3FD9]  }
0x89: {  	s3 =	sld [smem:$0x3FFE];
	_ =	sdelay $0x1  }
0x8a: {  	s1 =	srdreg.scid  }
0x8b: {  	s0 =	sand.u32 $0x1, s1  }
0x8c: {  	s17 =	sshll.u32 s0, $0xA;
	s2 =	sadd.s32 s3, s2  }
0x8d: {  	s2 =	sadd.s32 s2, s17  }
0x8e: {  	[smem:$0x3FC2] =	sst s2  }
0x8f: {  	_ = 	snop  }
0x90: {  	s2 =	sld [smem:$0x3FD0];
	(tm) =	ssettm $0x1  }
0x91: {  	s18 =	sld [smem:$0x3FFB];
	_ =	sdelay $0x3  }
0x92: {  	_ =	strace s18  }
0x93: {  	s3 =	sld [smem:$0x3FFC];
	_ =	sdelay $0x3  }
0x94: {  	_ =	strace s3  }
0x95: {  	s3 =	sld [smem:$0x3FFD];
	_ =	sdelay $0x3  }
0x96: {  	_ =	strace s3  }
0x97: {  	_ =	strace $0x8FFFFFFF  }
0x98: {  	s19 =	sld [smem:$0x3FDB];
	_ =	sdelay $0x1  }
0x99: {  	s4 =	simm.s32 $_scs_section_size  }
0x9a: {  	s5 =	simm.s32 $_size__tile_overlayer_lowered;
	s6 =	simm.s32 $_tile_overlayer_lowered  }
0x9b: {  	s22 =	simm.s32 $0x1BFF;
	s21 =	sshll.u32 s6, $0x1;
	s3 =	sadd.s32 s4, s19  }
0x9c: {  	s7 =	simm.s32 $0x0;
	s20 =	sshll.u32 s5, $0x1;
	s5 =	sadd.s32 s21, s3  }
0x9d: {  	[timem:s7], [sflag:s22] =	dma.local [hbm:s5], s20  }
0x9e: {  	_ =	swait.ge [sflag:s22], s20  }
0x9f: {  	s4 =	ssub.s32 $0x0, s20;
	[sflag:s22] =	ssyncset.done $0x0  }
0xa0: {  	[sflag:s22] =	ssyncadd.s32 s4;
	_ =	sdelay $0x1  }
0xa1: {  	s23 =	simm.s32 $0x1B8B  }
0xa2: {  	_ =	swait.ge [sflag:s23], $0x1  }
0xa3: {  	[sflag:s23] =	ssyncset.done $0x0  }
0xa4: {  	s25 =	simm.s32 $0x1B8E;
	s24 =	sld [smem:$0x3FFE];
	[sflag:s23] =	ssyncadd.s32 $0xFFFFFFFF  }
0xa5: {  	s26 =	simm.s32 $execute0_lowered;
	[smem:$0x3FD2] =	sst s25  }
0xa6: {  	s5 =	sshll.u32 s26, $0x1;
	_ =	strace $0x80000046;
	[dreg:$0x1] =	wrdreg $0xFFFFFFFF  }
0xa7: {  	s28 =	simm.s32 $_size_execute0_lowered;
	s3 =	sadd.s32 s3, s5;
	[dreg:$0x0] =	wrdreg $0x0  }
0xa8: {  	s5 =	sshll.u32 s28, $0x1;
	[dreg:$0x2] =	wrdreg s3  }
0xa9: {  	[dreg:$0x3] =	wrdreg s5  }
0xaa: {  	[dreg:$0x4] =	wrdreg $0xC0  }
0xab: {  	_ =	task [dreg:s7], $0x5FFFF  }
0xac: {  	[dreg:$0x1] =	wrdreg $0xFFFFFFFF  }
0xad: {  	[dreg:$0x0] =	wrdreg $0x60  }
0xae: {  	[dreg:$0x2] =	wrdreg s24  }
0xaf: {  	[dreg:$0x3] =	wrdreg s2  }
0xb0: {  	[dreg:$0x4] =	wrdreg $0x0  }
0xb1: {  	[dreg:$0x5] =	wrdreg $0x9  }
0xb2: {  	_ =	task.clear_ibuf [dreg:s7], $0x6FFFF;
	_ =	strace $0x90000046  }
0xb3: {  	s29 =	simm.s32 $0x9;
	_ =	strace $0x80000048  }
0xb4: {  	_ =	swait.ge [sflag:s29], $0x1  }
0xb5: {  	[sflag:s29] =	ssyncadd.s32 $0xFFFFFFFF  }
0xb6: {  	_ =	strace $0x90000048  }
0xb7: {  	_ =	sfence  }
0xb8: {  	s30 =	sld [smem:$0x0];
	_ =	sdelay $0x2  }
0xb9: {  	s31 =	sshll.u32 s1, $0xD;
	s1 =	sshrl.u32 s1, $0x2  }
0xba: {  	s3 =	sand.u32 $0x4000, s31;
	s1 =	sadd.s32 s1, s30  }
0xbb: {  	s0 =	sor.u32 s3, s0;
	s1 =	sshll.u32 s1, $0x11  }
0xbc: {  	s0 =	sor.u32 s1, s0  }
0xbd: {  	s0 =	sadd.s32 $0x8F2B, s0  }
0xbe: {  	[sflag:s0] =	ssyncadd.remote.s32 $0x1  }
0xbf: {  	_ =	sfence.sel $0xFFFF  }
0xc0: {  	[dreg:$0x0] =	wrdreg $0xFFFFFFFF;
	(pc) =	sbr.abs _section_cstart, $3  }
0xc1: {  	[dreg:$0x1] =	wrdreg $0xFFFFFFFF  }
0xc2: {  	_ =	task.clear_ibuf [dreg:s7], $0x2FFFF;
	_ =	strace $0x9FFFFFFF  }
0xc3: {  	(tm) =	ssettm $0x7FFFFFFF  }
tec
execute0_lowered:
.L_overlay_start_1:
0x0: {  	(tag) =	ssettag $0x1  }
0x1: {  	s0 =	srdreg.scid;
	s4 =	rddreg [dreg:$0x0]  }
0x2: {  	s6 =	rddreg [dreg:$0x1];
	s5 =	sand.u32 $0x1, s0;
	s0 =	stileid.u32  }
0x3: {  	s2 =	rddreg [dreg:$0x2];
	s3 =	simm.s32 $0x0;
	s9 =	smul.u32 $0x4E400, s0  }
0x4: {  	s12 =	simm.s32 $0x80;
	s13 =	simm.s32 $0x16320;
	s11 =	smul.u32 $0x138800, s5  }
0x5: {  	[smem:$0x7FF] =	sst s3;
	s14 =	sadd.s32 $0x128400, s2;
	s28 =	smul.u32 $0x13C00, s0  }
0x6: {  	s1 =	sshll.u32 s5, $0x4;
	s8 =	ssub.s32 $0x2, s5;
	s30 =	smul.u32 $0x4F000, s0  }
0x7: {  	p0 =	seq.s32 s0, $0xF;
	s7 =	sor.u32 s0, s1;
	s1 =	rddreg [dreg:$0x3]  }
0x8: {  	_ =	strace $0x80000047;
	s10 =	sshrl.u32 s8, $0x1;
	s15 =	sshll.u32 @!p0 s0, $0x6  }
0x9: {  	s14 =	sshrl.u32 @p0 s14, $0x3;
	s7 =	smul.u32 $0x280, s7;
	s8 =	ssub.s32 s8, s10  }
0xa: {  	s29 =	sshrl.u32 s9, $0x2;
	s31 =	sshrl.u32 s11, $0x3;
	s9 =	sshrl.u32 s30, $0x2  }
0xb: {  	s15 =	sor.u32 @!p0 $0x1C01, s15;
	s5 =	sadd.s32 s29, s2;
	s10 =	sadd.s32 s6, s31  }
0xc: {  	s16 =	sadd.s32 s9, s2;
	s8 =	smax.u32 s8, $0x1;
	s9 =	simm.s32 $0x1A320  }
0xd: {  	s4 =	sadd.s32 s7, s4;
	s7 =	sadd.s32 s28, s11;
	s11 =	simm.s32 $0x2720  }
0xe: {  	s16 =	sshrl.u32 @!p0 s16, $0x3;
	s4 =	sadd.s32 $0x1200, s4;
	s7 =	sshrl.u32 s7, $0x3  }
0xf: {  	v0 =	vimm.f32 $0.0e+00;
	v1 =	vimm.f32 $1.000000000e+00;
	s6 =	sadd.s32 s6, s7;
	s7 =	sadd.s32 $0x25080, s10;
	s10 =	simm.s32 $0x1  }
.LBB2_1:
0x10: {  	s17 =	simm.s32 $0x0  }
.LBB2_2:
0x11: {  	p1 =	sne.s32 s17, $0x4E200  }
.Ltmp0:
0x12: {  	_ = 	snop;
	(pc) =	sbr.rel @p1 .LBB2_2-.Ltmp0, $3  }
0x13: {  	_ =	sdelay $0x1  }
0x14: {  	s18 =	sshra.s32 s17, $0x2  }
0x15: {  	s17 =	sadd.s32 $0x200, s17;
	[tilespmem:s18+$0x2720] =	vst v0  }
0x16: {  	s17 =	simm.s32 $0x200;
	s18 =	simm.s32 $0x0  }
.LBB2_4:
0x17: {  	p1 =	sne.s32 s17, $0xFE00;
	[tilespmem:s18+$0x16320] =	vst v1;
	s18 =	smov.u32 s17;
	s17 =	sadd.s32 $0x200, s17  }
.Ltmp1:
0x18: {  	(pc) =	sbr.rel @p1 .LBB2_4-.Ltmp1, $2  }
0x19: {  	_ =	sdelay $0x2  }
0x1a: {  	s18 =	sshra.s32 s18, $0x2  }
0x1b: {  	[tilespmem:s18+$0x16320] =	vst v1;
	s17 =	simm.s32 $0x0  }
0x1c: {  	[tilespmem:s9], [sflag:$0x1] =	stream.linear.gather [hbm4b:s4+s17], $0x1400, $0x38;
	[tilespmem:$0x1B720] =	vst v63  }
0x1d: {  	_ =	swait.ge [sflag:s10], $0x1400  }
0x1e: {  	[sflag:s10] =	ssyncset.done $0x0  }
0x1f: {  	[sflag:s10] =	ssyncadd.s32 $0xFFFFEC00  }
0x20: {  	[spmem:s5] =	stream.linear.scatter [tilespmem:s11], [sflag:$0x1], $0x13900, $0x38;
	[tilespmem:$0x1B720] =	vst v63  }
0x21: {  	_ =	swait.ge [sflag:s10], $0x13900  }
0x22: {  	[sflag:s10] =	ssyncset.done $0x0  }
0x23: {  	[sflag:s10] =	ssyncadd.s32 $0xFFFEC700  }
0x24: {  	s31 =	simm.s32 $0x1A320;
	[bflag:$0x0] =	sbarrier.arrive $0xFFFF  }
0x25: {  	[spmem:s2] =	stream.indirect.scatter.add.f32 [tilespmem:s13], [sflag:$0x1], $0x10, s31, s12, $0xb8;
	[tilespmem:$0x1B720] =	vst v63  }
0x26: {  	s17 =	simm.s32 $0x200;
	_ =	swait.ge [sflag:s10], $0x800  }
.LBB2_6:
0x27: {  	s18 =	sshra.s32 s17, $0x2;
	[sflag:s10] =	ssyncset.done $0x0;
	p1 =	sne.s32 s17, $0x4E00  }
.Ltmp2:
0x28: {  	s18 =	sadd.s32 $0x1A320, s18;
	[sflag:s10] =	ssyncadd.s32 $0xFFFFF800;
	(pc) =	sbr.rel @p1 .LBB2_6-.Ltmp2, $3  }
0x29: {  	[spmem:s2] =	stream.indirect.scatter.add.f32 [tilespmem:s13], [sflag:$0x1], $0x10, s18, s12, $0xb8;
	[tilespmem:$0x1B720] =	vst v63  }
0x2a: {  	s17 =	sadd.s32 $0x200, s17;
	_ =	sdelay $0x1  }
0x2b: {  	_ =	swait.ge [sflag:s10], $0x800  }
0x2c: {  	[sflag:s10] =	ssyncset.done $0x0  }
0x2d: {  	[sflag:s10] =	ssyncadd.s32 $0xFFFFF800  }
0x2e: {  	s17 =	simm.s32 @p0 $0x1FC1;
	[bflag:$0x0] =	sbarrier.arrive $0xFFFF  }
0x2f: {  	[hbm:s7], [sflag:s17] =	dma.local @p0 [spmem:s14], $0x2080  }
0x30: {  	s17 =	simm.s32 @p0 $0x1  }
0x31: {  	s3 =	sadd.s32 $0x1, s3;
	_ =	swait.ge @p0 [sflag:s17], $0x2080  }
0x32: {  	p1 =	sne.s32 s3, s8;
	[sflag:s17] =	ssyncset.done @p0 $0x0  }
.Ltmp3:
0x33: {  	[sflag:s17] =	ssyncadd.s32 @p0 $0xFFFFDF80;
	s17 =	simm.s32 @!p0 $0x1;
	(pc) =	sbr.rel @p1 .LBB2_1-.Ltmp3, $4  }
0x34: {  	[hbm:s6], [sflag:s15] =	dma.local @!p0 [spmem:s16], $0x2780  }
0x35: {  	_ =	swait.ge @!p0 [sflag:s17], $0x2780  }
0x36: {  	[sflag:s17] =	ssyncset.done @!p0 $0x0  }
0x37: {  	[sflag:s17] =	ssyncadd.s32 @!p0 $0xFFFFD880  }
0x38: {  	_ =	sfence.sel $0x180000  }
0x39: {  	[bflag:$0x0] =	sbarrier.arrive $0xFFFF  }
0x3a: {  	p0 =	sne.s32 s0, $0x0;
	_ =	strace $0x90000047  }
0x3b: {  	s0 =	sadd.s32 @!p0 $0x100000, s1;
	[bflag:$0x2] =	sbarrier.arrive $0xFFFF  }
0x3c: {  	[sflag:s0] =	ssyncadd.tile.s32 @!p0 $0x1;
	_ =	shalt  }
.Lfunc_end2:
_tile_overlayer_lowered:
.L_overlay_start_2:
0x3d: {  	(tag) =	ssettag $0x2  }
0x3e: {  	s0 =	rddreg [dreg:$0x0];
	s2 =	stileid.u32  }
0x3f: {  	s1 =	rddreg [dreg:$0x1];
	p0 =	sne.s32 s2, $0x0  }
0x40: {  	s3 =	rddreg [dreg:$0x2];
	[bflag:$0x3] =	sbarrier.arrive $0xFFFF;
	s2 =	simm.s32 @!p0 $0x1C01  }
0x41: {  	[timem:s3], [sflag:s2] =	dma.local @!p0 [hbm:s0], s1  }
0x42: {  	s0 =	simm.s32 @!p0 $0x1  }
0x43: {  	_ =	swait.ge @!p0 [sflag:s0], s1  }
0x44: {  	s1 =	ssub.s32 @!p0 $0x0, s1;
	[sflag:s0] =	ssyncset.done @!p0 $0x0  }
0x45: {  	[sflag:s0] =	ssyncadd.s32 @!p0 s1  }
0x46: {  	[bflag:$0x3] =	sbarrier.arrive $0xFFFF  }
0x47: {  	_ =	shalt  }

</sc_bundles>
